<compile_context>
chip_gen: v7x
topology: tpu7x:2x2x1
jax: 0.10.2.dev20260603
libtpu: 0.0.44.dev20260713+nightly
codegen_flags: <defaults>
</compile_context>

<pallas_src>
import functools

import jax
import jax.numpy as jnp
from jax import lax
from jax.experimental import pallas as pl
from jax.experimental.pallas import tpu as pltpu
from jax.experimental.pallas import tpu_sc as plsc

_NUM_CORES = 2
_NUM_SUBCORES = 16
_NUM_WORKERS = _NUM_CORES * _NUM_SUBCORES
_CHUNK = 128


def _gather_rows(table, idx_flat, n_per_w, n_chunks, kp):
    mesh = plsc.VectorSubcoreMesh(core_axis_name="c", subcore_axis_name="s")

    @functools.partial(
        pl.kernel,
        mesh=mesh,
        compiler_params=pltpu.CompilerParams(use_tc_tiling_on_sc=False),
        out_type=jax.ShapeDtypeStruct((idx_flat.shape[0], kp), table.dtype),
        scratch_types=[
            pltpu.VMEM((n_chunks, _CHUNK), jnp.int32),
            pltpu.VMEM((n_per_w, kp), table.dtype),
            pltpu.SemaphoreType.DMA,
        ],
    )
    def run(table_hbm, idx_hbm, out_hbm, idx_v, rows_v, sem):
        wid = lax.axis_index("s") * _NUM_CORES + lax.axis_index("c")
        base = wid * n_per_w
        for j in range(n_chunks):
            pltpu.sync_copy(idx_hbm.at[pl.ds(base + j * _CHUNK, _CHUNK)],
                            idx_v.at[j])
        copies = [
            pltpu.async_copy(
                table_hbm.at[idx_v.at[j]],
                rows_v.at[pl.ds(j * _CHUNK, _CHUNK)],
                sem,
            )
            for j in range(n_chunks)
        ]
        for c in copies:
            c.wait()
        pltpu.sync_copy(rows_v, out_hbm.at[pl.ds(base, n_per_w)])

    return run(table, idx_flat)


def kernel(alias_indices, alias2entity_table):
    b, m = alias_indices.shape
    k = alias2entity_table.shape[1]
    kp = (k + 7) // 8 * 8
    n = b * m
    assert n % (_NUM_WORKERS * _CHUNK) == 0
    n_per_w = n // _NUM_WORKERS
    n_chunks = n_per_w // _CHUNK
    table_p = alias2entity_table
    if kp != k:
        table_p = jnp.pad(alias2entity_table, ((0, 0), (0, kp - k)))
    idx_flat = alias_indices.reshape(n).astype(jnp.int32)
    out = _gather_rows(table_p, idx_flat, n_per_w, n_chunks, kp)
    return out[:, :k].reshape(b, m, k)

# --- scband reference (transcript-rebuilt; emitter-appended) ---
"""Pipeline reference for scband-alias-entity-table-43722767073677 (READ-ONLY COPY).

The authoritative reference and input builder live on the scoring server;
editing this copy changes nothing except your own understanding.
"""

import jax, jax.numpy as jnp
import numpy as np

NUM_ALIASES_WITH_PAD_AND_UNK = 1_000_002  # 1M aliases + pad + unk
K = 30   # max candidates per alias
B = 4096
M = 10   # max aliases per example
NUM_ENTITIES = 1_000_000


def setup_inputs(seed: int = 0) -> dict:
    key = jax.random.key(seed)
    k1, k2 = jax.random.split(key)
    # alias indices in [0, num_real_aliases); pad/unk rows are the last two
    alias_indices = jax.random.randint(k1, (B, M), 0, NUM_ALIASES_WITH_PAD_AND_UNK - 2, dtype=jnp.int64)
    # alias -> candidate EID table (int64), last two rows are -1 (pad / unk)
    table = jax.random.randint(k2, (NUM_ALIASES_WITH_PAD_AND_UNK, K), 0, NUM_ENTITIES, dtype=jnp.int64)
    table = table.at[-2:].set(-1)
    return {"alias_indices": alias_indices, "alias2entity_table": table}


def reference(alias_indices, alias2entity_table):
    # Faithful translation of: candidate_entity_ids = self.alias2entity_table[alias_indices]
    # Gather of full K-wide rows from the alias table -> (B, M, K)
    candidate_entity_ids = jnp.take(alias2entity_table, alias_indices, axis=0)
    return candidate_entity_ids

if __name__ == "__main__":
    import jax
    _d = setup_inputs()
    print(jax.jit(kernel)(*tuple(_d.values())))

</pallas_src>

<mosaic_0001>
#map = affine_map<(d0, d1) -> (0, 0)>
#map1 = affine_map<(d0, d1) -> (0)>
module attributes {stable_mosaic.version = 14 : i64} {
  func.func @run(%arg0: i32, %arg1: i32, %arg2: memref<1000002x32xi32, #tpu.memory_space<hbm>>, %arg3: memref<40960xi32, #tpu.memory_space<hbm>>, %arg4: memref<40960x32xi32, #tpu.memory_space<hbm>>, %arg5: memref<10x128xi32, #tpu.memory_space<vmem>>, %arg6: memref<1280x32xi32, #tpu.memory_space<vmem>>, %arg7: memref<!tpu.dma_semaphore, #tpu.memory_space<semaphore_mem>>) attributes {dimension_semantics = [#tpu.dimension_semantics<core_parallel>, #tpu.dimension_semantics<subcore_parallel>], iteration_bounds = array<i64: 2, 16>, scalar_prefetch = 0 : i64, scratch_operands = 3 : i64, tpu.core_type = #tpu.core_type<sc_vector_subcore>, window_params = [{transform_indices = #map}, {transform_indices = #map1}, {transform_indices = #map}]} {
    %mul3A = arith.constant 2 : i32
    %mul3A_0 = arith.muli %arg1, %mul3A : i32
    %add3A = arith.addi %mul3A_0, %arg0 : i32
    %mul3A_1 = arith.constant 1280 : i32
    %mul3A_2 = arith.muli %add3A, %mul3A_1 : i32
    %add3A_3 = arith.constant 0 : i32
    %add3A_4 = arith.addi %mul3A_2, %add3A_3 : i32
    %run_scoped3A = arith.constant 0 : i32
    "tpu.region"() ({
      %run_scoped3A_230 = tpu.sem_alloc : memref<!tpu.dma_semaphore, #tpu.memory_space<semaphore_mem>>
      %dma_start3A_231 = arith.constant 0 : i32
      %dma_start3A_232 = tpu.memref_slice %arg5[%run_scoped3A, %dma_start3A_231] : memref<10x128xi32, #tpu.memory_space<vmem>> -> memref<1x128xi32, #tpu.memory_space<vmem>>
      %dma_start3A_233 = tpu.memref_squeeze %dma_start3A_232 : memref<1x128xi32, #tpu.memory_space<vmem>> -> memref<128xi32, #tpu.memory_space<vmem>>
      %dma_start3A_234 = tpu.memref_slice %arg3[%add3A_4] : memref<40960xi32, #tpu.memory_space<hbm>> -> memref<128xi32, #tpu.memory_space<hbm>>
      %dma_start3A_235 = arith.constant 0 : i32
      %dma_start3A_236 = tpu.memref_slice %arg5[%run_scoped3A, %dma_start3A_235] : memref<10x128xi32, #tpu.memory_space<vmem>> -> memref<1x128xi32, #tpu.memory_space<vmem>>
      %dma_start3A_237 = tpu.memref_squeeze %dma_start3A_236 : memref<1x128xi32, #tpu.memory_space<vmem>> -> memref<128xi32, #tpu.memory_space<vmem>>
      %dma_start3A_238 = tpu.memref_slice %arg3[%add3A_4] : memref<40960xi32, #tpu.memory_space<hbm>> -> memref<128xi32, #tpu.memory_space<hbm>>
      tpu.enqueue_dma source(%dma_start3A_238 : memref<128xi32, #tpu.memory_space<hbm>>) target(%dma_start3A_237 : memref<128xi32, #tpu.memory_space<vmem>>) target_semaphore(%run_scoped3A_230 : memref<!tpu.dma_semaphore, #tpu.memory_space<semaphore_mem>>)
      %dma_wait3A_239 = arith.constant 0 : i32
      %dma_wait3A_240 = tpu.memref_slice %arg5[%run_scoped3A, %dma_wait3A_239] : memref<10x128xi32, #tpu.memory_space<vmem>> -> memref<1x128xi32, #tpu.memory_space<vmem>>
      %dma_wait3A_241 = tpu.memref_squeeze %dma_wait3A_240 : memref<1x128xi32, #tpu.memory_space<vmem>> -> memref<128xi32, #tpu.memory_space<vmem>>
      %dma_wait3A_242 = tpu.memref_slice %arg3[%add3A_4] : memref<40960xi32, #tpu.memory_space<hbm>> -> memref<128xi32, #tpu.memory_space<hbm>>
      %dma_wait3A_243 = arith.constant 0 : i32
      %dma_wait3A_244 = tpu.memref_slice %arg5[%run_scoped3A, %dma_wait3A_243] : memref<10x128xi32, #tpu.memory_space<vmem>> -> memref<1x128xi32, #tpu.memory_space<vmem>>
      %dma_wait3A_245 = tpu.memref_squeeze %dma_wait3A_244 : memref<1x128xi32, #tpu.memory_space<vmem>> -> memref<128xi32, #tpu.memory_space<vmem>>
      %dma_wait3A_246 = tpu.memref_slice %arg3[%add3A_4] : memref<40960xi32, #tpu.memory_space<hbm>> -> memref<128xi32, #tpu.memory_space<hbm>>
      tpu.wait_dma2 semaphore(%run_scoped3A_230 : memref<!tpu.dma_semaphore, #tpu.memory_space<semaphore_mem>>) src(%dma_wait3A_246 : memref<128xi32, #tpu.memory_space<hbm>>) dst(%dma_wait3A_245 : memref<128xi32, #tpu.memory_space<vmem>>)
      tpu.yield
    }) : () -> ()
    %add3A_5 = arith.constant 128 : i32
    %add3A_6 = arith.addi %mul3A_2, %add3A_5 : i32
    %run_scoped3A_7 = arith.constant 1 : i32
    "tpu.region"() ({
      %run_scoped3A_230 = tpu.sem_alloc : memref<!tpu.dma_semaphore, #tpu.memory_space<semaphore_mem>>
      %dma_start3A_231 = arith.constant 0 : i32
      %dma_start3A_232 = tpu.memref_slice %arg5[%run_scoped3A_7, %dma_start3A_231] : memref<10x128xi32, #tpu.memory_space<vmem>> -> memref<1x128xi32, #tpu.memory_space<vmem>>
      %dma_start3A_233 = tpu.memref_squeeze %dma_start3A_232 : memref<1x128xi32, #tpu.memory_space<vmem>> -> memref<128xi32, #tpu.memory_space<vmem>>
      %dma_start3A_234 = tpu.memref_slice %arg3[%add3A_6] : memref<40960xi32, #tpu.memory_space<hbm>> -> memref<128xi32, #tpu.memory_space<hbm>>
      %dma_start3A_235 = arith.constant 0 : i32
      %dma_start3A_236 = tpu.memref_slice %arg5[%run_scoped3A_7, %dma_start3A_235] : memref<10x128xi32, #tpu.memory_space<vmem>> -> memref<1x128xi32, #tpu.memory_space<vmem>>
      %dma_start3A_237 = tpu.memref_squeeze %dma_start3A_236 : memref<1x128xi32, #tpu.memory_space<vmem>> -> memref<128xi32, #tpu.memory_space<vmem>>
      %dma_start3A_238 = tpu.memref_slice %arg3[%add3A_6] : memref<40960xi32, #tpu.memory_space<hbm>> -> memref<128xi32, #tpu.memory_space<hbm>>
      tpu.enqueue_dma source(%dma_start3A_238 : memref<128xi32, #tpu.memory_space<hbm>>) target(%dma_start3A_237 : memref<128xi32, #tpu.memory_space<vmem>>) target_semaphore(%run_scoped3A_230 : memref<!tpu.dma_semaphore, #tpu.memory_space<semaphore_mem>>)
      %dma_wait3A_239 = arith.constant 0 : i32
      %dma_wait3A_240 = tpu.memref_slice %arg5[%run_scoped3A_7, %dma_wait3A_239] : memref<10x128xi32, #tpu.memory_space<vmem>> -> memref<1x128xi32, #tpu.memory_space<vmem>>
      %dma_wait3A_241 = tpu.memref_squeeze %dma_wait3A_240 : memref<1x128xi32, #tpu.memory_space<vmem>> -> memref<128xi32, #tpu.memory_space<vmem>>
      %dma_wait3A_242 = tpu.memref_slice %arg3[%add3A_6] : memref<40960xi32, #tpu.memory_space<hbm>> -> memref<128xi32, #tpu.memory_space<hbm>>
      %dma_wait3A_243 = arith.constant 0 : i32
      %dma_wait3A_244 = tpu.memref_slice %arg5[%run_scoped3A_7, %dma_wait3A_243] : memref<10x128xi32, #tpu.memory_space<vmem>> -> memref<1x128xi32, #tpu.memory_space<vmem>>
      %dma_wait3A_245 = tpu.memref_squeeze %dma_wait3A_244 : memref<1x128xi32, #tpu.memory_space<vmem>> -> memref<128xi32, #tpu.memory_space<vmem>>
      %dma_wait3A_246 = tpu.memref_slice %arg3[%add3A_6] : memref<40960xi32, #tpu.memory_space<hbm>> -> memref<128xi32, #tpu.memory_space<hbm>>
      tpu.wait_dma2 semaphore(%run_scoped3A_230 : memref<!tpu.dma_semaphore, #tpu.memory_space<semaphore_mem>>) src(%dma_wait3A_246 : memref<128xi32, #tpu.memory_space<hbm>>) dst(%dma_wait3A_245 : memref<128xi32, #tpu.memory_space<vmem>>)
      tpu.yield
    }) : () -> ()
    %add3A_8 = arith.constant 256 : i32
    %add3A_9 = arith.addi %mul3A_2, %add3A_8 : i32
    %run_scoped3A_10 = arith.constant 2 : i32
    "tpu.region"() ({
      %run_scoped3A_230 = tpu.sem_alloc : memref<!tpu.dma_semaphore, #tpu.memory_space<semaphore_mem>>
      %dma_start3A_231 = arith.constant 0 : i32
      %dma_start3A_232 = tpu.memref_slice %arg5[%run_scoped3A_10, %dma_start3A_231] : memref<10x128xi32, #tpu.memory_space<vmem>> -> memref<1x128xi32, #tpu.memory_space<vmem>>
      %dma_start3A_233 = tpu.memref_squeeze %dma_start3A_232 : memref<1x128xi32, #tpu.memory_space<vmem>> -> memref<128xi32, #tpu.memory_space<vmem>>
      %dma_start3A_234 = tpu.memref_slice %arg3[%add3A_9] : memref<40960xi32, #tpu.memory_space<hbm>> -> memref<128xi32, #tpu.memory_space<hbm>>
      %dma_start3A_235 = arith.constant 0 : i32
      %dma_start3A_236 = tpu.memref_slice %arg5[%run_scoped3A_10, %dma_start3A_235] : memref<10x128xi32, #tpu.memory_space<vmem>> -> memref<1x128xi32, #tpu.memory_space<vmem>>
      %dma_start3A_237 = tpu.memref_squeeze %dma_start3A_236 : memref<1x128xi32, #tpu.memory_space<vmem>> -> memref<128xi32, #tpu.memory_space<vmem>>
      %dma_start3A_238 = tpu.memref_slice %arg3[%add3A_9] : memref<40960xi32, #tpu.memory_space<hbm>> -> memref<128xi32, #tpu.memory_space<hbm>>
      tpu.enqueue_dma source(%dma_start3A_238 : memref<128xi32, #tpu.memory_space<hbm>>) target(%dma_start3A_237 : memref<128xi32, #tpu.memory_space<vmem>>) target_semaphore(%run_scoped3A_230 : memref<!tpu.dma_semaphore, #tpu.memory_space<semaphore_mem>>)
      %dma_wait3A_239 = arith.constant 0 : i32
      %dma_wait3A_240 = tpu.memref_slice %arg5[%run_scoped3A_10, %dma_wait3A_239] : memref<10x128xi32, #tpu.memory_space<vmem>> -> memref<1x128xi32, #tpu.memory_space<vmem>>
      %dma_wait3A_241 = tpu.memref_squeeze %dma_wait3A_240 : memref<1x128xi32, #tpu.memory_space<vmem>> -> memref<128xi32, #tpu.memory_space<vmem>>
      %dma_wait3A_242 = tpu.memref_slice %arg3[%add3A_9] : memref<40960xi32, #tpu.memory_space<hbm>> -> memref<128xi32, #tpu.memory_space<hbm>>
      %dma_wait3A_243 = arith.constant 0 : i32
      %dma_wait3A_244 = tpu.memref_slice %arg5[%run_scoped3A_10, %dma_wait3A_243] : memref<10x128xi32, #tpu.memory_space<vmem>> -> memref<1x128xi32, #tpu.memory_space<vmem>>
      %dma_wait3A_245 = tpu.memref_squeeze %dma_wait3A_244 : memref<1x128xi32, #tpu.memory_space<vmem>> -> memref<128xi32, #tpu.memory_space<vmem>>
      %dma_wait3A_246 = tpu.memref_slice %arg3[%add3A_9] : memref<40960xi32, #tpu.memory_space<hbm>> -> memref<128xi32, #tpu.memory_space<hbm>>
      tpu.wait_dma2 semaphore(%run_scoped3A_230 : memref<!tpu.dma_semaphore, #tpu.memory_space<semaphore_mem>>) src(%dma_wait3A_246 : memref<128xi32, #tpu.memory_space<hbm>>) dst(%dma_wait3A_245 : memref<128xi32, #tpu.memory_space<vmem>>)
      tpu.yield
    }) : () -> ()
    %add3A_11 = arith.constant 384 : i32
    %add3A_12 = arith.addi %mul3A_2, %add3A_11 : i32
    %run_scoped3A_13 = arith.constant 3 : i32
    "tpu.region"() ({
      %run_scoped3A_230 = tpu.sem_alloc : memref<!tpu.dma_semaphore, #tpu.memory_space<semaphore_mem>>
      %dma_start3A_231 = arith.constant 0 : i32
      %dma_start3A_232 = tpu.memref_slice %arg5[%run_scoped3A_13, %dma_start3A_231] : memref<10x128xi32, #tpu.memory_space<vmem>> -> memref<1x128xi32, #tpu.memory_space<vmem>>
      %dma_start3A_233 = tpu.memref_squeeze %dma_start3A_232 : memref<1x128xi32, #tpu.memory_space<vmem>> -> memref<128xi32, #tpu.memory_space<vmem>>
      %dma_start3A_234 = tpu.memref_slice %arg3[%add3A_12] : memref<40960xi32, #tpu.memory_space<hbm>> -> memref<128xi32, #tpu.memory_space<hbm>>
      %dma_start3A_235 = arith.constant 0 : i32
      %dma_start3A_236 = tpu.memref_slice %arg5[%run_scoped3A_13, %dma_start3A_235] : memref<10x128xi32, #tpu.memory_space<vmem>> -> memref<1x128xi32, #tpu.memory_space<vmem>>
      %dma_start3A_237 = tpu.memref_squeeze %dma_start3A_236 : memref<1x128xi32, #tpu.memory_space<vmem>> -> memref<128xi32, #tpu.memory_space<vmem>>
      %dma_start3A_238 = tpu.memref_slice %arg3[%add3A_12] : memref<40960xi32, #tpu.memory_space<hbm>> -> memref<128xi32, #tpu.memory_space<hbm>>
      tpu.enqueue_dma source(%dma_start3A_238 : memref<128xi32, #tpu.memory_space<hbm>>) target(%dma_start3A_237 : memref<128xi32, #tpu.memory_space<vmem>>) target_semaphore(%run_scoped3A_230 : memref<!tpu.dma_semaphore, #tpu.memory_space<semaphore_mem>>)
      %dma_wait3A_239 = arith.constant 0 : i32
      %dma_wait3A_240 = tpu.memref_slice %arg5[%run_scoped3A_13, %dma_wait3A_239] : memref<10x128xi32, #tpu.memory_space<vmem>> -> memref<1x128xi32, #tpu.memory_space<vmem>>
      %dma_wait3A_241 = tpu.memref_squeeze %dma_wait3A_240 : memref<1x128xi32, #tpu.memory_space<vmem>> -> memref<128xi32, #tpu.memory_space<vmem>>
      %dma_wait3A_242 = tpu.memref_slice %arg3[%add3A_12] : memref<40960xi32, #tpu.memory_space<hbm>> -> memref<128xi32, #tpu.memory_space<hbm>>
      %dma_wait3A_243 = arith.constant 0 : i32
      %dma_wait3A_244 = tpu.memref_slice %arg5[%run_scoped3A_13, %dma_wait3A_243] : memref<10x128xi32, #tpu.memory_space<vmem>> -> memref<1x128xi32, #tpu.memory_space<vmem>>
      %dma_wait3A_245 = tpu.memref_squeeze %dma_wait3A_244 : memref<1x128xi32, #tpu.memory_space<vmem>> -> memref<128xi32, #tpu.memory_space<vmem>>
      %dma_wait3A_246 = tpu.memref_slice %arg3[%add3A_12] : memref<40960xi32, #tpu.memory_space<hbm>> -> memref<128xi32, #tpu.memory_space<hbm>>
      tpu.wait_dma2 semaphore(%run_scoped3A_230 : memref<!tpu.dma_semaphore, #tpu.memory_space<semaphore_mem>>) src(%dma_wait3A_246 : memref<128xi32, #tpu.memory_space<hbm>>) dst(%dma_wait3A_245 : memref<128xi32, #tpu.memory_space<vmem>>)
      tpu.yield
    }) : () -> ()
    %add3A_14 = arith.constant 512 : i32
    %add3A_15 = arith.addi %mul3A_2, %add3A_14 : i32
    %run_scoped3A_16 = arith.constant 4 : i32
    "tpu.region"() ({
      %run_scoped3A_230 = tpu.sem_alloc : memref<!tpu.dma_semaphore, #tpu.memory_space<semaphore_mem>>
      %dma_start3A_231 = arith.constant 0 : i32
      %dma_start3A_232 = tpu.memref_slice %arg5[%run_scoped3A_16, %dma_start3A_231] : memref<10x128xi32, #tpu.memory_space<vmem>> -> memref<1x128xi32, #tpu.memory_space<vmem>>
      %dma_start3A_233 = tpu.memref_squeeze %dma_start3A_232 : memref<1x128xi32, #tpu.memory_space<vmem>> -> memref<128xi32, #tpu.memory_space<vmem>>
      %dma_start3A_234 = tpu.memref_slice %arg3[%add3A_15] : memref<40960xi32, #tpu.memory_space<hbm>> -> memref<128xi32, #tpu.memory_space<hbm>>
      %dma_start3A_235 = arith.constant 0 : i32
      %dma_start3A_236 = tpu.memref_slice %arg5[%run_scoped3A_16, %dma_start3A_235] : memref<10x128xi32, #tpu.memory_space<vmem>> -> memref<1x128xi32, #tpu.memory_space<vmem>>
      %dma_start3A_237 = tpu.memref_squeeze %dma_start3A_236 : memref<1x128xi32, #tpu.memory_space<vmem>> -> memref<128xi32, #tpu.memory_space<vmem>>
      %dma_start3A_238 = tpu.memref_slice %arg3[%add3A_15] : memref<40960xi32, #tpu.memory_space<hbm>> -> memref<128xi32, #tpu.memory_space<hbm>>
      tpu.enqueue_dma source(%dma_start3A_238 : memref<128xi32, #tpu.memory_space<hbm>>) target(%dma_start3A_237 : memref<128xi32, #tpu.memory_space<vmem>>) target_semaphore(%run_scoped3A_230 : memref<!tpu.dma_semaphore, #tpu.memory_space<semaphore_mem>>)
      %dma_wait3A_239 = arith.constant 0 : i32
      %dma_wait3A_240 = tpu.memref_slice %arg5[%run_scoped3A_16, %dma_wait3A_239] : memref<10x128xi32, #tpu.memory_space<vmem>> -> memref<1x128xi32, #tpu.memory_space<vmem>>
      %dma_wait3A_241 = tpu.memref_squeeze %dma_wait3A_240 : memref<1x128xi32, #tpu.memory_space<vmem>> -> memref<128xi32, #tpu.memory_space<vmem>>
      %dma_wait3A_242 = tpu.memref_slice %arg3[%add3A_15] : memref<40960xi32, #tpu.memory_space<hbm>> -> memref<128xi32, #tpu.memory_space<hbm>>
      %dma_wait3A_243 = arith.constant 0 : i32
      %dma_wait3A_244 = tpu.memref_slice %arg5[%run_scoped3A_16, %dma_wait3A_243] : memref<10x128xi32, #tpu.memory_space<vmem>> -> memref<1x128xi32, #tpu.memory_space<vmem>>
      %dma_wait3A_245 = tpu.memref_squeeze %dma_wait3A_244 : memref<1x128xi32, #tpu.memory_space<vmem>> -> memref<128xi32, #tpu.memory_space<vmem>>
      %dma_wait3A_246 = tpu.memref_slice %arg3[%add3A_15] : memref<40960xi32, #tpu.memory_space<hbm>> -> memref<128xi32, #tpu.memory_space<hbm>>
      tpu.wait_dma2 semaphore(%run_scoped3A_230 : memref<!tpu.dma_semaphore, #tpu.memory_space<semaphore_mem>>) src(%dma_wait3A_246 : memref<128xi32, #tpu.memory_space<hbm>>) dst(%dma_wait3A_245 : memref<128xi32, #tpu.memory_space<vmem>>)
      tpu.yield
    }) : () -> ()
    %add3A_17 = arith.constant 640 : i32
    %add3A_18 = arith.addi %mul3A_2, %add3A_17 : i32
    %run_scoped3A_19 = arith.constant 5 : i32
    "tpu.region"() ({
      %run_scoped3A_230 = tpu.sem_alloc : memref<!tpu.dma_semaphore, #tpu.memory_space<semaphore_mem>>
      %dma_start3A_231 = arith.constant 0 : i32
      %dma_start3A_232 = tpu.memref_slice %arg5[%run_scoped3A_19, %dma_start3A_231] : memref<10x128xi32, #tpu.memory_space<vmem>> -> memref<1x128xi32, #tpu.memory_space<vmem>>
      %dma_start3A_233 = tpu.memref_squeeze %dma_start3A_232 : memref<1x128xi32, #tpu.memory_space<vmem>> -> memref<128xi32, #tpu.memory_space<vmem>>
      %dma_start3A_234 = tpu.memref_slice %arg3[%add3A_18] : memref<40960xi32, #tpu.memory_space<hbm>> -> memref<128xi32, #tpu.memory_space<hbm>>
      %dma_start3A_235 = arith.constant 0 : i32
      %dma_start3A_236 = tpu.memref_slice %arg5[%run_scoped3A_19, %dma_start3A_235] : memref<10x128xi32, #tpu.memory_space<vmem>> -> memref<1x128xi32, #tpu.memory_space<vmem>>
      %dma_start3A_237 = tpu.memref_squeeze %dma_start3A_236 : memref<1x128xi32, #tpu.memory_space<vmem>> -> memref<128xi32, #tpu.memory_space<vmem>>
      %dma_start3A_238 = tpu.memref_slice %arg3[%add3A_18] : memref<40960xi32, #tpu.memory_space<hbm>> -> memref<128xi32, #tpu.memory_space<hbm>>
      tpu.enqueue_dma source(%dma_start3A_238 : memref<128xi32, #tpu.memory_space<hbm>>) target(%dma_start3A_237 : memref<128xi32, #tpu.memory_space<vmem>>) target_semaphore(%run_scoped3A_230 : memref<!tpu.dma_semaphore, #tpu.memory_space<semaphore_mem>>)
      %dma_wait3A_239 = arith.constant 0 : i32
      %dma_wait3A_240 = tpu.memref_slice %arg5[%run_scoped3A_19, %dma_wait3A_239] : memref<10x128xi32, #tpu.memory_space<vmem>> -> memref<1x128xi32, #tpu.memory_space<vmem>>
      %dma_wait3A_241 = tpu.memref_squeeze %dma_wait3A_240 : memref<1x128xi32, #tpu.memory_space<vmem>> -> memref<128xi32, #tpu.memory_space<vmem>>
      %dma_wait3A_242 = tpu.memref_slice %arg3[%add3A_18] : memref<40960xi32, #tpu.memory_space<hbm>> -> memref<128xi32, #tpu.memory_space<hbm>>
      %dma_wait3A_243 = arith.constant 0 : i32
      %dma_wait3A_244 = tpu.memref_slice %arg5[%run_scoped3A_19, %dma_wait3A_243] : memref<10x128xi32, #tpu.memory_space<vmem>> -> memref<1x128xi32, #tpu.memory_space<vmem>>
      %dma_wait3A_245 = tpu.memref_squeeze %dma_wait3A_244 : memref<1x128xi32, #tpu.memory_space<vmem>> -> memref<128xi32, #tpu.memory_space<vmem>>
      %dma_wait3A_246 = tpu.memref_slice %arg3[%add3A_18] : memref<40960xi32, #tpu.memory_space<hbm>> -> memref<128xi32, #tpu.memory_space<hbm>>
      tpu.wait_dma2 semaphore(%run_scoped3A_230 : memref<!tpu.dma_semaphore, #tpu.memory_space<semaphore_mem>>) src(%dma_wait3A_246 : memref<128xi32, #tpu.memory_space<hbm>>) dst(%dma_wait3A_245 : memref<128xi32, #tpu.memory_space<vmem>>)
      tpu.yield
    }) : () -> ()
    %add3A_20 = arith.constant 768 : i32
    %add3A_21 = arith.addi %mul3A_2, %add3A_20 : i32
    %run_scoped3A_22 = arith.constant 6 : i32
    "tpu.region"() ({
      %run_scoped3A_230 = tpu.sem_alloc : memref<!tpu.dma_semaphore, #tpu.memory_space<semaphore_mem>>
      %dma_start3A_231 = arith.constant 0 : i32
      %dma_start3A_232 = tpu.memref_slice %arg5[%run_scoped3A_22, %dma_start3A_231] : memref<10x128xi32, #tpu.memory_space<vmem>> -> memref<1x128xi32, #tpu.memory_space<vmem>>
      %dma_start3A_233 = tpu.memref_squeeze %dma_start3A_232 : memref<1x128xi32, #tpu.memory_space<vmem>> -> memref<128xi32, #tpu.memory_space<vmem>>
      %dma_start3A_234 = tpu.memref_slice %arg3[%add3A_21] : memref<40960xi32, #tpu.memory_space<hbm>> -> memref<128xi32, #tpu.memory_space<hbm>>
      %dma_start3A_235 = arith.constant 0 : i32
      %dma_start3A_236 = tpu.memref_slice %arg5[%run_scoped3A_22, %dma_start3A_235] : memref<10x128xi32, #tpu.memory_space<vmem>> -> memref<1x128xi32, #tpu.memory_space<vmem>>
      %dma_start3A_237 = tpu.memref_squeeze %dma_start3A_236 : memref<1x128xi32, #tpu.memory_space<vmem>> -> memref<128xi32, #tpu.memory_space<vmem>>
      %dma_start3A_238 = tpu.memref_slice %arg3[%add3A_21] : memref<40960xi32, #tpu.memory_space<hbm>> -> memref<128xi32, #tpu.memory_space<hbm>>
      tpu.enqueue_dma source(%dma_start3A_238 : memref<128xi32, #tpu.memory_space<hbm>>) target(%dma_start3A_237 : memref<128xi32, #tpu.memory_space<vmem>>) target_semaphore(%run_scoped3A_230 : memref<!tpu.dma_semaphore, #tpu.memory_space<semaphore_mem>>)
      %dma_wait3A_239 = arith.constant 0 : i32
      %dma_wait3A_240 = tpu.memref_slice %arg5[%run_scoped3A_22, %dma_wait3A_239] : memref<10x128xi32, #tpu.memory_space<vmem>> -> memref<1x128xi32, #tpu.memory_space<vmem>>
      %dma_wait3A_241 = tpu.memref_squeeze %dma_wait3A_240 : memref<1x128xi32, #tpu.memory_space<vmem>> -> memref<128xi32, #tpu.memory_space<vmem>>
      %dma_wait3A_242 = tpu.memref_slice %arg3[%add3A_21] : memref<40960xi32, #tpu.memory_space<hbm>> -> memref<128xi32, #tpu.memory_space<hbm>>
      %dma_wait3A_243 = arith.constant 0 : i32
      %dma_wait3A_244 = tpu.memref_slice %arg5[%run_scoped3A_22, %dma_wait3A_243] : memref<10x128xi32, #tpu.memory_space<vmem>> -> memref<1x128xi32, #tpu.memory_space<vmem>>
      %dma_wait3A_245 = tpu.memref_squeeze %dma_wait3A_244 : memref<1x128xi32, #tpu.memory_space<vmem>> -> memref<128xi32, #tpu.memory_space<vmem>>
      %dma_wait3A_246 = tpu.memref_slice %arg3[%add3A_21] : memref<40960xi32, #tpu.memory_space<hbm>> -> memref<128xi32, #tpu.memory_space<hbm>>
      tpu.wait_dma2 semaphore(%run_scoped3A_230 : memref<!tpu.dma_semaphore, #tpu.memory_space<semaphore_mem>>) src(%dma_wait3A_246 : memref<128xi32, #tpu.memory_space<hbm>>) dst(%dma_wait3A_245 : memref<128xi32, #tpu.memory_space<vmem>>)
      tpu.yield
    }) : () -> ()
    %add3A_23 = arith.constant 896 : i32
    %add3A_24 = arith.addi %mul3A_2, %add3A_23 : i32
    %run_scoped3A_25 = arith.constant 7 : i32
    "tpu.region"() ({
      %run_scoped3A_230 = tpu.sem_alloc : memref<!tpu.dma_semaphore, #tpu.memory_space<semaphore_mem>>
      %dma_start3A_231 = arith.constant 0 : i32
      %dma_start3A_232 = tpu.memref_slice %arg5[%run_scoped3A_25, %dma_start3A_231] : memref<10x128xi32, #tpu.memory_space<vmem>> -> memref<1x128xi32, #tpu.memory_space<vmem>>
      %dma_start3A_233 = tpu.memref_squeeze %dma_start3A_232 : memref<1x128xi32, #tpu.memory_space<vmem>> -> memref<128xi32, #tpu.memory_space<vmem>>
      %dma_start3A_234 = tpu.memref_slice %arg3[%add3A_24] : memref<40960xi32, #tpu.memory_space<hbm>> -> memref<128xi32, #tpu.memory_space<hbm>>
      %dma_start3A_235 = arith.constant 0 : i32
      %dma_start3A_236 = tpu.memref_slice %arg5[%run_scoped3A_25, %dma_start3A_235] : memref<10x128xi32, #tpu.memory_space<vmem>> -> memref<1x128xi32, #tpu.memory_space<vmem>>
      %dma_start3A_237 = tpu.memref_squeeze %dma_start3A_236 : memref<1x128xi32, #tpu.memory_space<vmem>> -> memref<128xi32, #tpu.memory_space<vmem>>
      %dma_start3A_238 = tpu.memref_slice %arg3[%add3A_24] : memref<40960xi32, #tpu.memory_space<hbm>> -> memref<128xi32, #tpu.memory_space<hbm>>
      tpu.enqueue_dma source(%dma_start3A_238 : memref<128xi32, #tpu.memory_space<hbm>>) target(%dma_start3A_237 : memref<128xi32, #tpu.memory_space<vmem>>) target_semaphore(%run_scoped3A_230 : memref<!tpu.dma_semaphore, #tpu.memory_space<semaphore_mem>>)
      %dma_wait3A_239 = arith.constant 0 : i32
      %dma_wait3A_240 = tpu.memref_slice %arg5[%run_scoped3A_25, %dma_wait3A_239] : memref<10x128xi32, #tpu.memory_space<vmem>> -> memref<1x128xi32, #tpu.memory_space<vmem>>
      %dma_wait3A_241 = tpu.memref_squeeze %dma_wait3A_240 : memref<1x128xi32, #tpu.memory_space<vmem>> -> memref<128xi32, #tpu.memory_space<vmem>>
      %dma_wait3A_242 = tpu.memref_slice %arg3[%add3A_24] : memref<40960xi32, #tpu.memory_space<hbm>> -> memref<128xi32, #tpu.memory_space<hbm>>
      %dma_wait3A_243 = arith.constant 0 : i32
      %dma_wait3A_244 = tpu.memref_slice %arg5[%run_scoped3A_25, %dma_wait3A_243] : memref<10x128xi32, #tpu.memory_space<vmem>> -> memref<1x128xi32, #tpu.memory_space<vmem>>
      %dma_wait3A_245 = tpu.memref_squeeze %dma_wait3A_244 : memref<1x128xi32, #tpu.memory_space<vmem>> -> memref<128xi32, #tpu.memory_space<vmem>>
      %dma_wait3A_246 = tpu.memref_slice %arg3[%add3A_24] : memref<40960xi32, #tpu.memory_space<hbm>> -> memref<128xi32, #tpu.memory_space<hbm>>
      tpu.wait_dma2 semaphore(%run_scoped3A_230 : memref<!tpu.dma_semaphore, #tpu.memory_space<semaphore_mem>>) src(%dma_wait3A_246 : memref<128xi32, #tpu.memory_space<hbm>>) dst(%dma_wait3A_245 : memref<128xi32, #tpu.memory_space<vmem>>)
      tpu.yield
    }) : () -> ()
    %add3A_26 = arith.constant 1024 : i32
    %add3A_27 = arith.addi %mul3A_2, %add3A_26 : i32
    %run_scoped3A_28 = arith.constant 8 : i32
    "tpu.region"() ({
      %run_scoped3A_230 = tpu.sem_alloc : memref<!tpu.dma_semaphore, #tpu.memory_space<semaphore_mem>>
      %dma_start3A_231 = arith.constant 0 : i32
      %dma_start3A_232 = tpu.memref_slice %arg5[%run_scoped3A_28, %dma_start3A_231] : memref<10x128xi32, #tpu.memory_space<vmem>> -> memref<1x128xi32, #tpu.memory_space<vmem>>
      %dma_start3A_233 = tpu.memref_squeeze %dma_start3A_232 : memref<1x128xi32, #tpu.memory_space<vmem>> -> memref<128xi32, #tpu.memory_space<vmem>>
      %dma_start3A_234 = tpu.memref_slice %arg3[%add3A_27] : memref<40960xi32, #tpu.memory_space<hbm>> -> memref<128xi32, #tpu.memory_space<hbm>>
      %dma_start3A_235 = arith.constant 0 : i32
      %dma_start3A_236 = tpu.memref_slice %arg5[%run_scoped3A_28, %dma_start3A_235] : memref<10x128xi32, #tpu.memory_space<vmem>> -> memref<1x128xi32, #tpu.memory_space<vmem>>
      %dma_start3A_237 = tpu.memref_squeeze %dma_start3A_236 : memref<1x128xi32, #tpu.memory_space<vmem>> -> memref<128xi32, #tpu.memory_space<vmem>>
      %dma_start3A_238 = tpu.memref_slice %arg3[%add3A_27] : memref<40960xi32, #tpu.memory_space<hbm>> -> memref<128xi32, #tpu.memory_space<hbm>>
      tpu.enqueue_dma source(%dma_start3A_238 : memref<128xi32, #tpu.memory_space<hbm>>) target(%dma_start3A_237 : memref<128xi32, #tpu.memory_space<vmem>>) target_semaphore(%run_scoped3A_230 : memref<!tpu.dma_semaphore, #tpu.memory_space<semaphore_mem>>)
      %dma_wait3A_239 = arith.constant 0 : i32
      %dma_wait3A_240 = tpu.memref_slice %arg5[%run_scoped3A_28, %dma_wait3A_239] : memref<10x128xi32, #tpu.memory_space<vmem>> -> memref<1x128xi32, #tpu.memory_space<vmem>>
      %dma_wait3A_241 = tpu.memref_squeeze %dma_wait3A_240 : memref<1x128xi32, #tpu.memory_space<vmem>> -> memref<128xi32, #tpu.memory_space<vmem>>
      %dma_wait3A_242 = tpu.memref_slice %arg3[%add3A_27] : memref<40960xi32, #tpu.memory_space<hbm>> -> memref<128xi32, #tpu.memory_space<hbm>>
      %dma_wait3A_243 = arith.constant 0 : i32
      %dma_wait3A_244 = tpu.memref_slice %arg5[%run_scoped3A_28, %dma_wait3A_243] : memref<10x128xi32, #tpu.memory_space<vmem>> -> memref<1x128xi32, #tpu.memory_space<vmem>>
      %dma_wait3A_245 = tpu.memref_squeeze %dma_wait3A_244 : memref<1x128xi32, #tpu.memory_space<vmem>> -> memref<128xi32, #tpu.memory_space<vmem>>
      %dma_wait3A_246 = tpu.memref_slice %arg3[%add3A_27] : memref<40960xi32, #tpu.memory_space<hbm>> -> memref<128xi32, #tpu.memory_space<hbm>>
      tpu.wait_dma2 semaphore(%run_scoped3A_230 : memref<!tpu.dma_semaphore, #tpu.memory_space<semaphore_mem>>) src(%dma_wait3A_246 : memref<128xi32, #tpu.memory_space<hbm>>) dst(%dma_wait3A_245 : memref<128xi32, #tpu.memory_space<vmem>>)
      tpu.yield
    }) : () -> ()
    %add3A_29 = arith.constant 1152 : i32
    %add3A_30 = arith.addi %mul3A_2, %add3A_29 : i32
    %run_scoped3A_31 = arith.constant 9 : i32
    "tpu.region"() ({
      %run_scoped3A_230 = tpu.sem_alloc : memref<!tpu.dma_semaphore, #tpu.memory_space<semaphore_mem>>
      %dma_start3A_231 = arith.constant 0 : i32
      %dma_start3A_232 = tpu.memref_slice %arg5[%run_scoped3A_31, %dma_start3A_231] : memref<10x128xi32, #tpu.memory_space<vmem>> -> memref<1x128xi32, #tpu.memory_space<vmem>>
      %dma_start3A_233 = tpu.memref_squeeze %dma_start3A_232 : memref<1x128xi32, #tpu.memory_space<vmem>> -> memref<128xi32, #tpu.memory_space<vmem>>
      %dma_start3A_234 = tpu.memref_slice %arg3[%add3A_30] : memref<40960xi32, #tpu.memory_space<hbm>> -> memref<128xi32, #tpu.memory_space<hbm>>
      %dma_start3A_235 = arith.constant 0 : i32
      %dma_start3A_236 = tpu.memref_slice %arg5[%run_scoped3A_31, %dma_start3A_235] : memref<10x128xi32, #tpu.memory_space<vmem>> -> memref<1x128xi32, #tpu.memory_space<vmem>>
      %dma_start3A_237 = tpu.memref_squeeze %dma_start3A_236 : memref<1x128xi32, #tpu.memory_space<vmem>> -> memref<128xi32, #tpu.memory_space<vmem>>
      %dma_start3A_238 = tpu.memref_slice %arg3[%add3A_30] : memref<40960xi32, #tpu.memory_space<hbm>> -> memref<128xi32, #tpu.memory_space<hbm>>
      tpu.enqueue_dma source(%dma_start3A_238 : memref<128xi32, #tpu.memory_space<hbm>>) target(%dma_start3A_237 : memref<128xi32, #tpu.memory_space<vmem>>) target_semaphore(%run_scoped3A_230 : memref<!tpu.dma_semaphore, #tpu.memory_space<semaphore_mem>>)
      %dma_wait3A_239 = arith.constant 0 : i32
      %dma_wait3A_240 = tpu.memref_slice %arg5[%run_scoped3A_31, %dma_wait3A_239] : memref<10x128xi32, #tpu.memory_space<vmem>> -> memref<1x128xi32, #tpu.memory_space<vmem>>
      %dma_wait3A_241 = tpu.memref_squeeze %dma_wait3A_240 : memref<1x128xi32, #tpu.memory_space<vmem>> -> memref<128xi32, #tpu.memory_space<vmem>>
      %dma_wait3A_242 = tpu.memref_slice %arg3[%add3A_30] : memref<40960xi32, #tpu.memory_space<hbm>> -> memref<128xi32, #tpu.memory_space<hbm>>
      %dma_wait3A_243 = arith.constant 0 : i32
      %dma_wait3A_244 = tpu.memref_slice %arg5[%run_scoped3A_31, %dma_wait3A_243] : memref<10x128xi32, #tpu.memory_space<vmem>> -> memref<1x128xi32, #tpu.memory_space<vmem>>
      %dma_wait3A_245 = tpu.memref_squeeze %dma_wait3A_244 : memref<1x128xi32, #tpu.memory_space<vmem>> -> memref<128xi32, #tpu.memory_space<vmem>>
      %dma_wait3A_246 = tpu.memref_slice %arg3[%add3A_30] : memref<40960xi32, #tpu.memory_space<hbm>> -> memref<128xi32, #tpu.memory_space<hbm>>
      tpu.wait_dma2 semaphore(%run_scoped3A_230 : memref<!tpu.dma_semaphore, #tpu.memory_space<semaphore_mem>>) src(%dma_wait3A_246 : memref<128xi32, #tpu.memory_space<hbm>>) dst(%dma_wait3A_245 : memref<128xi32, #tpu.memory_space<vmem>>)
      tpu.yield
    }) : () -> ()
    %dma_start3A = arith.constant 0 : i32
    %dma_start3A_32 = arith.constant 0 : i32
    %dma_start3A_33 = arith.constant 0 : i32
    %dma_start3A_34 = tpu.memref_slice %arg6[%dma_start3A_32, %dma_start3A_33] : memref<1280x32xi32, #tpu.memory_space<vmem>> -> memref<128x32xi32, #tpu.memory_space<vmem>>
    %dma_start3A_35 = arith.constant 0 : i32
    %dma_start3A_36 = tpu.memref_slice %arg5[%dma_start3A, %dma_start3A_35] : memref<10x128xi32, #tpu.memory_space<vmem>> -> memref<1x128xi32, #tpu.memory_space<vmem>>
    %dma_start3A_37 = tpu.memref_squeeze %dma_start3A_36 : memref<1x128xi32, #tpu.memory_space<vmem>> -> memref<128xi32, #tpu.memory_space<vmem>>
    %dma_start3A_38 = arith.constant 0 : i32
    %dma_start3A_39 = arith.constant 0 : i32
    %dma_start3A_40 = tpu.memref_slice %arg2[%dma_start3A_38, %dma_start3A_39] : memref<1000002x32xi32, #tpu.memory_space<hbm>> -> memref<1000002x32xi32, #tpu.memory_space<hbm>>
    tpu.enqueue_indirect_dma source(%dma_start3A_40 : memref<1000002x32xi32, #tpu.memory_space<hbm>>) target(%dma_start3A_34 : memref<128x32xi32, #tpu.memory_space<vmem>>) offsets(%dma_start3A_37 : memref<128xi32, #tpu.memory_space<vmem>>) semaphore(%arg7 : memref<!tpu.dma_semaphore, #tpu.memory_space<semaphore_mem>>)
    %dma_start3A_41 = arith.constant 1 : i32
    %dma_start3A_42 = arith.constant 128 : i32
    %dma_start3A_43 = arith.constant 0 : i32
    %dma_start3A_44 = tpu.memref_slice %arg6[%dma_start3A_42, %dma_start3A_43] : memref<1280x32xi32, #tpu.memory_space<vmem>> -> memref<128x32xi32, #tpu.memory_space<vmem>>
    %dma_start3A_45 = arith.constant 0 : i32
    %dma_start3A_46 = tpu.memref_slice %arg5[%dma_start3A_41, %dma_start3A_45] : memref<10x128xi32, #tpu.memory_space<vmem>> -> memref<1x128xi32, #tpu.memory_space<vmem>>
    %dma_start3A_47 = tpu.memref_squeeze %dma_start3A_46 : memref<1x128xi32, #tpu.memory_space<vmem>> -> memref<128xi32, #tpu.memory_space<vmem>>
    %dma_start3A_48 = arith.constant 0 : i32
    %dma_start3A_49 = arith.constant 0 : i32
    %dma_start3A_50 = tpu.memref_slice %arg2[%dma_start3A_48, %dma_start3A_49] : memref<1000002x32xi32, #tpu.memory_space<hbm>> -> memref<1000002x32xi32, #tpu.memory_space<hbm>>
    tpu.enqueue_indirect_dma source(%dma_start3A_50 : memref<1000002x32xi32, #tpu.memory_space<hbm>>) target(%dma_start3A_44 : memref<128x32xi32, #tpu.memory_space<vmem>>) offsets(%dma_start3A_47 : memref<128xi32, #tpu.memory_space<vmem>>) semaphore(%arg7 : memref<!tpu.dma_semaphore, #tpu.memory_space<semaphore_mem>>)
    %dma_start3A_51 = arith.constant 2 : i32
    %dma_start3A_52 = arith.constant 256 : i32
    %dma_start3A_53 = arith.constant 0 : i32
    %dma_start3A_54 = tpu.memref_slice %arg6[%dma_start3A_52, %dma_start3A_53] : memref<1280x32xi32, #tpu.memory_space<vmem>> -> memref<128x32xi32, #tpu.memory_space<vmem>>
    %dma_start3A_55 = arith.constant 0 : i32
    %dma_start3A_56 = tpu.memref_slice %arg5[%dma_start3A_51, %dma_start3A_55] : memref<10x128xi32, #tpu.memory_space<vmem>> -> memref<1x128xi32, #tpu.memory_space<vmem>>
    %dma_start3A_57 = tpu.memref_squeeze %dma_start3A_56 : memref<1x128xi32, #tpu.memory_space<vmem>> -> memref<128xi32, #tpu.memory_space<vmem>>
    %dma_start3A_58 = arith.constant 0 : i32
    %dma_start3A_59 = arith.constant 0 : i32
    %dma_start3A_60 = tpu.memref_slice %arg2[%dma_start3A_58, %dma_start3A_59] : memref<1000002x32xi32, #tpu.memory_space<hbm>> -> memref<1000002x32xi32, #tpu.memory_space<hbm>>
    tpu.enqueue_indirect_dma source(%dma_start3A_60 : memref<1000002x32xi32, #tpu.memory_space<hbm>>) target(%dma_start3A_54 : memref<128x32xi32, #tpu.memory_space<vmem>>) offsets(%dma_start3A_57 : memref<128xi32, #tpu.memory_space<vmem>>) semaphore(%arg7 : memref<!tpu.dma_semaphore, #tpu.memory_space<semaphore_mem>>)
    %dma_start3A_61 = arith.constant 3 : i32
    %dma_start3A_62 = arith.constant 384 : i32
    %dma_start3A_63 = arith.constant 0 : i32
    %dma_start3A_64 = tpu.memref_slice %arg6[%dma_start3A_62, %dma_start3A_63] : memref<1280x32xi32, #tpu.memory_space<vmem>> -> memref<128x32xi32, #tpu.memory_space<vmem>>
    %dma_start3A_65 = arith.constant 0 : i32
    %dma_start3A_66 = tpu.memref_slice %arg5[%dma_start3A_61, %dma_start3A_65] : memref<10x128xi32, #tpu.memory_space<vmem>> -> memref<1x128xi32, #tpu.memory_space<vmem>>
    %dma_start3A_67 = tpu.memref_squeeze %dma_start3A_66 : memref<1x128xi32, #tpu.memory_space<vmem>> -> memref<128xi32, #tpu.memory_space<vmem>>
    %dma_start3A_68 = arith.constant 0 : i32
    %dma_start3A_69 = arith.constant 0 : i32
    %dma_start3A_70 = tpu.memref_slice %arg2[%dma_start3A_68, %dma_start3A_69] : memref<1000002x32xi32, #tpu.memory_space<hbm>> -> memref<1000002x32xi32, #tpu.memory_space<hbm>>
    tpu.enqueue_indirect_dma source(%dma_start3A_70 : memref<1000002x32xi32, #tpu.memory_space<hbm>>) target(%dma_start3A_64 : memref<128x32xi32, #tpu.memory_space<vmem>>) offsets(%dma_start3A_67 : memref<128xi32, #tpu.memory_space<vmem>>) semaphore(%arg7 : memref<!tpu.dma_semaphore, #tpu.memory_space<semaphore_mem>>)
    %dma_start3A_71 = arith.constant 4 : i32
    %dma_start3A_72 = arith.constant 512 : i32
    %dma_start3A_73 = arith.constant 0 : i32
    %dma_start3A_74 = tpu.memref_slice %arg6[%dma_start3A_72, %dma_start3A_73] : memref<1280x32xi32, #tpu.memory_space<vmem>> -> memref<128x32xi32, #tpu.memory_space<vmem>>
    %dma_start3A_75 = arith.constant 0 : i32
    %dma_start3A_76 = tpu.memref_slice %arg5[%dma_start3A_71, %dma_start3A_75] : memref<10x128xi32, #tpu.memory_space<vmem>> -> memref<1x128xi32, #tpu.memory_space<vmem>>
    %dma_start3A_77 = tpu.memref_squeeze %dma_start3A_76 : memref<1x128xi32, #tpu.memory_space<vmem>> -> memref<128xi32, #tpu.memory_space<vmem>>
    %dma_start3A_78 = arith.constant 0 : i32
    %dma_start3A_79 = arith.constant 0 : i32
    %dma_start3A_80 = tpu.memref_slice %arg2[%dma_start3A_78, %dma_start3A_79] : memref<1000002x32xi32, #tpu.memory_space<hbm>> -> memref<1000002x32xi32, #tpu.memory_space<hbm>>
    tpu.enqueue_indirect_dma source(%dma_start3A_80 : memref<1000002x32xi32, #tpu.memory_space<hbm>>) target(%dma_start3A_74 : memref<128x32xi32, #tpu.memory_space<vmem>>) offsets(%dma_start3A_77 : memref<128xi32, #tpu.memory_space<vmem>>) semaphore(%arg7 : memref<!tpu.dma_semaphore, #tpu.memory_space<semaphore_mem>>)
    %dma_start3A_81 = arith.constant 5 : i32
    %dma_start3A_82 = arith.constant 640 : i32
    %dma_start3A_83 = arith.constant 0 : i32
    %dma_start3A_84 = tpu.memref_slice %arg6[%dma_start3A_82, %dma_start3A_83] : memref<1280x32xi32, #tpu.memory_space<vmem>> -> memref<128x32xi32, #tpu.memory_space<vmem>>
    %dma_start3A_85 = arith.constant 0 : i32
    %dma_start3A_86 = tpu.memref_slice %arg5[%dma_start3A_81, %dma_start3A_85] : memref<10x128xi32, #tpu.memory_space<vmem>> -> memref<1x128xi32, #tpu.memory_space<vmem>>
    %dma_start3A_87 = tpu.memref_squeeze %dma_start3A_86 : memref<1x128xi32, #tpu.memory_space<vmem>> -> memref<128xi32, #tpu.memory_space<vmem>>
    %dma_start3A_88 = arith.constant 0 : i32
    %dma_start3A_89 = arith.constant 0 : i32
    %dma_start3A_90 = tpu.memref_slice %arg2[%dma_start3A_88, %dma_start3A_89] : memref<1000002x32xi32, #tpu.memory_space<hbm>> -> memref<1000002x32xi32, #tpu.memory_space<hbm>>
    tpu.enqueue_indirect_dma source(%dma_start3A_90 : memref<1000002x32xi32, #tpu.memory_space<hbm>>) target(%dma_start3A_84 : memref<128x32xi32, #tpu.memory_space<vmem>>) offsets(%dma_start3A_87 : memref<128xi32, #tpu.memory_space<vmem>>) semaphore(%arg7 : memref<!tpu.dma_semaphore, #tpu.memory_space<semaphore_mem>>)
    %dma_start3A_91 = arith.constant 6 : i32
    %dma_start3A_92 = arith.constant 768 : i32
    %dma_start3A_93 = arith.constant 0 : i32
    %dma_start3A_94 = tpu.memref_slice %arg6[%dma_start3A_92, %dma_start3A_93] : memref<1280x32xi32, #tpu.memory_space<vmem>> -> memref<128x32xi32, #tpu.memory_space<vmem>>
    %dma_start3A_95 = arith.constant 0 : i32
    %dma_start3A_96 = tpu.memref_slice %arg5[%dma_start3A_91, %dma_start3A_95] : memref<10x128xi32, #tpu.memory_space<vmem>> -> memref<1x128xi32, #tpu.memory_space<vmem>>
    %dma_start3A_97 = tpu.memref_squeeze %dma_start3A_96 : memref<1x128xi32, #tpu.memory_space<vmem>> -> memref<128xi32, #tpu.memory_space<vmem>>
    %dma_start3A_98 = arith.constant 0 : i32
    %dma_start3A_99 = arith.constant 0 : i32
    %dma_start3A_100 = tpu.memref_slice %arg2[%dma_start3A_98, %dma_start3A_99] : memref<1000002x32xi32, #tpu.memory_space<hbm>> -> memref<1000002x32xi32, #tpu.memory_space<hbm>>
    tpu.enqueue_indirect_dma source(%dma_start3A_100 : memref<1000002x32xi32, #tpu.memory_space<hbm>>) target(%dma_start3A_94 : memref<128x32xi32, #tpu.memory_space<vmem>>) offsets(%dma_start3A_97 : memref<128xi32, #tpu.memory_space<vmem>>) semaphore(%arg7 : memref<!tpu.dma_semaphore, #tpu.memory_space<semaphore_mem>>)
    %dma_start3A_101 = arith.constant 7 : i32
    %dma_start3A_102 = arith.constant 896 : i32
    %dma_start3A_103 = arith.constant 0 : i32
    %dma_start3A_104 = tpu.memref_slice %arg6[%dma_start3A_102, %dma_start3A_103] : memref<1280x32xi32, #tpu.memory_space<vmem>> -> memref<128x32xi32, #tpu.memory_space<vmem>>
    %dma_start3A_105 = arith.constant 0 : i32
    %dma_start3A_106 = tpu.memref_slice %arg5[%dma_start3A_101, %dma_start3A_105] : memref<10x128xi32, #tpu.memory_space<vmem>> -> memref<1x128xi32, #tpu.memory_space<vmem>>
    %dma_start3A_107 = tpu.memref_squeeze %dma_start3A_106 : memref<1x128xi32, #tpu.memory_space<vmem>> -> memref<128xi32, #tpu.memory_space<vmem>>
    %dma_start3A_108 = arith.constant 0 : i32
    %dma_start3A_109 = arith.constant 0 : i32
    %dma_start3A_110 = tpu.memref_slice %arg2[%dma_start3A_108, %dma_start3A_109] : memref<1000002x32xi32, #tpu.memory_space<hbm>> -> memref<1000002x32xi32, #tpu.memory_space<hbm>>
    tpu.enqueue_indirect_dma source(%dma_start3A_110 : memref<1000002x32xi32, #tpu.memory_space<hbm>>) target(%dma_start3A_104 : memref<128x32xi32, #tpu.memory_space<vmem>>) offsets(%dma_start3A_107 : memref<128xi32, #tpu.memory_space<vmem>>) semaphore(%arg7 : memref<!tpu.dma_semaphore, #tpu.memory_space<semaphore_mem>>)
    %dma_start3A_111 = arith.constant 8 : i32
    %dma_start3A_112 = arith.constant 1024 : i32
    %dma_start3A_113 = arith.constant 0 : i32
    %dma_start3A_114 = tpu.memref_slice %arg6[%dma_start3A_112, %dma_start3A_113] : memref<1280x32xi32, #tpu.memory_space<vmem>> -> memref<128x32xi32, #tpu.memory_space<vmem>>
    %dma_start3A_115 = arith.constant 0 : i32
    %dma_start3A_116 = tpu.memref_slice %arg5[%dma_start3A_111, %dma_start3A_115] : memref<10x128xi32, #tpu.memory_space<vmem>> -> memref<1x128xi32, #tpu.memory_space<vmem>>
    %dma_start3A_117 = tpu.memref_squeeze %dma_start3A_116 : memref<1x128xi32, #tpu.memory_space<vmem>> -> memref<128xi32, #tpu.memory_space<vmem>>
    %dma_start3A_118 = arith.constant 0 : i32
    %dma_start3A_119 = arith.constant 0 : i32
    %dma_start3A_120 = tpu.memref_slice %arg2[%dma_start3A_118, %dma_start3A_119] : memref<1000002x32xi32, #tpu.memory_space<hbm>> -> memref<1000002x32xi32, #tpu.memory_space<hbm>>
    tpu.enqueue_indirect_dma source(%dma_start3A_120 : memref<1000002x32xi32, #tpu.memory_space<hbm>>) target(%dma_start3A_114 : memref<128x32xi32, #tpu.memory_space<vmem>>) offsets(%dma_start3A_117 : memref<128xi32, #tpu.memory_space<vmem>>) semaphore(%arg7 : memref<!tpu.dma_semaphore, #tpu.memory_space<semaphore_mem>>)
    %dma_start3A_121 = arith.constant 9 : i32
    %dma_start3A_122 = arith.constant 1152 : i32
    %dma_start3A_123 = arith.constant 0 : i32
    %dma_start3A_124 = tpu.memref_slice %arg6[%dma_start3A_122, %dma_start3A_123] : memref<1280x32xi32, #tpu.memory_space<vmem>> -> memref<128x32xi32, #tpu.memory_space<vmem>>
    %dma_start3A_125 = arith.constant 0 : i32
    %dma_start3A_126 = tpu.memref_slice %arg5[%dma_start3A_121, %dma_start3A_125] : memref<10x128xi32, #tpu.memory_space<vmem>> -> memref<1x128xi32, #tpu.memory_space<vmem>>
    %dma_start3A_127 = tpu.memref_squeeze %dma_start3A_126 : memref<1x128xi32, #tpu.memory_space<vmem>> -> memref<128xi32, #tpu.memory_space<vmem>>
    %dma_start3A_128 = arith.constant 0 : i32
    %dma_start3A_129 = arith.constant 0 : i32
    %dma_start3A_130 = tpu.memref_slice %arg2[%dma_start3A_128, %dma_start3A_129] : memref<1000002x32xi32, #tpu.memory_space<hbm>> -> memref<1000002x32xi32, #tpu.memory_space<hbm>>
    tpu.enqueue_indirect_dma source(%dma_start3A_130 : memref<1000002x32xi32, #tpu.memory_space<hbm>>) target(%dma_start3A_124 : memref<128x32xi32, #tpu.memory_space<vmem>>) offsets(%dma_start3A_127 : memref<128xi32, #tpu.memory_space<vmem>>) semaphore(%arg7 : memref<!tpu.dma_semaphore, #tpu.memory_space<semaphore_mem>>)
    %dma_wait3A = arith.constant 0 : i32
    %dma_wait3A_131 = arith.constant 0 : i32
    %dma_wait3A_132 = arith.constant 0 : i32
    %dma_wait3A_133 = tpu.memref_slice %arg6[%dma_wait3A_131, %dma_wait3A_132] : memref<1280x32xi32, #tpu.memory_space<vmem>> -> memref<128x32xi32, #tpu.memory_space<vmem>>
    %dma_wait3A_134 = arith.constant 0 : i32
    %dma_wait3A_135 = tpu.memref_slice %arg5[%dma_wait3A, %dma_wait3A_134] : memref<10x128xi32, #tpu.memory_space<vmem>> -> memref<1x128xi32, #tpu.memory_space<vmem>>
    %dma_wait3A_136 = tpu.memref_squeeze %dma_wait3A_135 : memref<1x128xi32, #tpu.memory_space<vmem>> -> memref<128xi32, #tpu.memory_space<vmem>>
    %dma_wait3A_137 = arith.constant 0 : i32
    %dma_wait3A_138 = arith.constant 0 : i32
    %dma_wait3A_139 = tpu.memref_slice %arg2[%dma_wait3A_137, %dma_wait3A_138] : memref<1000002x32xi32, #tpu.memory_space<hbm>> -> memref<1000002x32xi32, #tpu.memory_space<hbm>>
    tpu.wait_indirect_dma semaphore(%arg7 : memref<!tpu.dma_semaphore, #tpu.memory_space<semaphore_mem>>) src(%dma_wait3A_139 : memref<1000002x32xi32, #tpu.memory_space<hbm>>) dst(%dma_wait3A_133 : memref<128x32xi32, #tpu.memory_space<vmem>>)
    %dma_wait3A_140 = arith.constant 1 : i32
    %dma_wait3A_141 = arith.constant 128 : i32
    %dma_wait3A_142 = arith.constant 0 : i32
    %dma_wait3A_143 = tpu.memref_slice %arg6[%dma_wait3A_141, %dma_wait3A_142] : memref<1280x32xi32, #tpu.memory_space<vmem>> -> memref<128x32xi32, #tpu.memory_space<vmem>>
    %dma_wait3A_144 = arith.constant 0 : i32
    %dma_wait3A_145 = tpu.memref_slice %arg5[%dma_wait3A_140, %dma_wait3A_144] : memref<10x128xi32, #tpu.memory_space<vmem>> -> memref<1x128xi32, #tpu.memory_space<vmem>>
    %dma_wait3A_146 = tpu.memref_squeeze %dma_wait3A_145 : memref<1x128xi32, #tpu.memory_space<vmem>> -> memref<128xi32, #tpu.memory_space<vmem>>
    %dma_wait3A_147 = arith.constant 0 : i32
    %dma_wait3A_148 = arith.constant 0 : i32
    %dma_wait3A_149 = tpu.memref_slice %arg2[%dma_wait3A_147, %dma_wait3A_148] : memref<1000002x32xi32, #tpu.memory_space<hbm>> -> memref<1000002x32xi32, #tpu.memory_space<hbm>>
    tpu.wait_indirect_dma semaphore(%arg7 : memref<!tpu.dma_semaphore, #tpu.memory_space<semaphore_mem>>) src(%dma_wait3A_149 : memref<1000002x32xi32, #tpu.memory_space<hbm>>) dst(%dma_wait3A_143 : memref<128x32xi32, #tpu.memory_space<vmem>>)
    %dma_wait3A_150 = arith.constant 2 : i32
    %dma_wait3A_151 = arith.constant 256 : i32
    %dma_wait3A_152 = arith.constant 0 : i32
    %dma_wait3A_153 = tpu.memref_slice %arg6[%dma_wait3A_151, %dma_wait3A_152] : memref<1280x32xi32, #tpu.memory_space<vmem>> -> memref<128x32xi32, #tpu.memory_space<vmem>>
    %dma_wait3A_154 = arith.constant 0 : i32
    %dma_wait3A_155 = tpu.memref_slice %arg5[%dma_wait3A_150, %dma_wait3A_154] : memref<10x128xi32, #tpu.memory_space<vmem>> -> memref<1x128xi32, #tpu.memory_space<vmem>>
    %dma_wait3A_156 = tpu.memref_squeeze %dma_wait3A_155 : memref<1x128xi32, #tpu.memory_space<vmem>> -> memref<128xi32, #tpu.memory_space<vmem>>
    %dma_wait3A_157 = arith.constant 0 : i32
    %dma_wait3A_158 = arith.constant 0 : i32
    %dma_wait3A_159 = tpu.memref_slice %arg2[%dma_wait3A_157, %dma_wait3A_158] : memref<1000002x32xi32, #tpu.memory_space<hbm>> -> memref<1000002x32xi32, #tpu.memory_space<hbm>>
    tpu.wait_indirect_dma semaphore(%arg7 : memref<!tpu.dma_semaphore, #tpu.memory_space<semaphore_mem>>) src(%dma_wait3A_159 : memref<1000002x32xi32, #tpu.memory_space<hbm>>) dst(%dma_wait3A_153 : memref<128x32xi32, #tpu.memory_space<vmem>>)
    %dma_wait3A_160 = arith.constant 3 : i32
    %dma_wait3A_161 = arith.constant 384 : i32
    %dma_wait3A_162 = arith.constant 0 : i32
    %dma_wait3A_163 = tpu.memref_slice %arg6[%dma_wait3A_161, %dma_wait3A_162] : memref<1280x32xi32, #tpu.memory_space<vmem>> -> memref<128x32xi32, #tpu.memory_space<vmem>>
    %dma_wait3A_164 = arith.constant 0 : i32
    %dma_wait3A_165 = tpu.memref_slice %arg5[%dma_wait3A_160, %dma_wait3A_164] : memref<10x128xi32, #tpu.memory_space<vmem>> -> memref<1x128xi32, #tpu.memory_space<vmem>>
    %dma_wait3A_166 = tpu.memref_squeeze %dma_wait3A_165 : memref<1x128xi32, #tpu.memory_space<vmem>> -> memref<128xi32, #tpu.memory_space<vmem>>
    %dma_wait3A_167 = arith.constant 0 : i32
    %dma_wait3A_168 = arith.constant 0 : i32
    %dma_wait3A_169 = tpu.memref_slice %arg2[%dma_wait3A_167, %dma_wait3A_168] : memref<1000002x32xi32, #tpu.memory_space<hbm>> -> memref<1000002x32xi32, #tpu.memory_space<hbm>>
    tpu.wait_indirect_dma semaphore(%arg7 : memref<!tpu.dma_semaphore, #tpu.memory_space<semaphore_mem>>) src(%dma_wait3A_169 : memref<1000002x32xi32, #tpu.memory_space<hbm>>) dst(%dma_wait3A_163 : memref<128x32xi32, #tpu.memory_space<vmem>>)
    %dma_wait3A_170 = arith.constant 4 : i32
    %dma_wait3A_171 = arith.constant 512 : i32
    %dma_wait3A_172 = arith.constant 0 : i32
    %dma_wait3A_173 = tpu.memref_slice %arg6[%dma_wait3A_171, %dma_wait3A_172] : memref<1280x32xi32, #tpu.memory_space<vmem>> -> memref<128x32xi32, #tpu.memory_space<vmem>>
    %dma_wait3A_174 = arith.constant 0 : i32
    %dma_wait3A_175 = tpu.memref_slice %arg5[%dma_wait3A_170, %dma_wait3A_174] : memref<10x128xi32, #tpu.memory_space<vmem>> -> memref<1x128xi32, #tpu.memory_space<vmem>>
    %dma_wait3A_176 = tpu.memref_squeeze %dma_wait3A_175 : memref<1x128xi32, #tpu.memory_space<vmem>> -> memref<128xi32, #tpu.memory_space<vmem>>
    %dma_wait3A_177 = arith.constant 0 : i32
    %dma_wait3A_178 = arith.constant 0 : i32
    %dma_wait3A_179 = tpu.memref_slice %arg2[%dma_wait3A_177, %dma_wait3A_178] : memref<1000002x32xi32, #tpu.memory_space<hbm>> -> memref<1000002x32xi32, #tpu.memory_space<hbm>>
    tpu.wait_indirect_dma semaphore(%arg7 : memref<!tpu.dma_semaphore, #tpu.memory_space<semaphore_mem>>) src(%dma_wait3A_179 : memref<1000002x32xi32, #tpu.memory_space<hbm>>) dst(%dma_wait3A_173 : memref<128x32xi32, #tpu.memory_space<vmem>>)
    %dma_wait3A_180 = arith.constant 5 : i32
    %dma_wait3A_181 = arith.constant 640 : i32
    %dma_wait3A_182 = arith.constant 0 : i32
    %dma_wait3A_183 = tpu.memref_slice %arg6[%dma_wait3A_181, %dma_wait3A_182] : memref<1280x32xi32, #tpu.memory_space<vmem>> -> memref<128x32xi32, #tpu.memory_space<vmem>>
    %dma_wait3A_184 = arith.constant 0 : i32
    %dma_wait3A_185 = tpu.memref_slice %arg5[%dma_wait3A_180, %dma_wait3A_184] : memref<10x128xi32, #tpu.memory_space<vmem>> -> memref<1x128xi32, #tpu.memory_space<vmem>>
    %dma_wait3A_186 = tpu.memref_squeeze %dma_wait3A_185 : memref<1x128xi32, #tpu.memory_space<vmem>> -> memref<128xi32, #tpu.memory_space<vmem>>
    %dma_wait3A_187 = arith.constant 0 : i32
    %dma_wait3A_188 = arith.constant 0 : i32
    %dma_wait3A_189 = tpu.memref_slice %arg2[%dma_wait3A_187, %dma_wait3A_188] : memref<1000002x32xi32, #tpu.memory_space<hbm>> -> memref<1000002x32xi32, #tpu.memory_space<hbm>>
    tpu.wait_indirect_dma semaphore(%arg7 : memref<!tpu.dma_semaphore, #tpu.memory_space<semaphore_mem>>) src(%dma_wait3A_189 : memref<1000002x32xi32, #tpu.memory_space<hbm>>) dst(%dma_wait3A_183 : memref<128x32xi32, #tpu.memory_space<vmem>>)
    %dma_wait3A_190 = arith.constant 6 : i32
    %dma_wait3A_191 = arith.constant 768 : i32
    %dma_wait3A_192 = arith.constant 0 : i32
    %dma_wait3A_193 = tpu.memref_slice %arg6[%dma_wait3A_191, %dma_wait3A_192] : memref<1280x32xi32, #tpu.memory_space<vmem>> -> memref<128x32xi32, #tpu.memory_space<vmem>>
    %dma_wait3A_194 = arith.constant 0 : i32
    %dma_wait3A_195 = tpu.memref_slice %arg5[%dma_wait3A_190, %dma_wait3A_194] : memref<10x128xi32, #tpu.memory_space<vmem>> -> memref<1x128xi32, #tpu.memory_space<vmem>>
    %dma_wait3A_196 = tpu.memref_squeeze %dma_wait3A_195 : memref<1x128xi32, #tpu.memory_space<vmem>> -> memref<128xi32, #tpu.memory_space<vmem>>
    %dma_wait3A_197 = arith.constant 0 : i32
    %dma_wait3A_198 = arith.constant 0 : i32
    %dma_wait3A_199 = tpu.memref_slice %arg2[%dma_wait3A_197, %dma_wait3A_198] : memref<1000002x32xi32, #tpu.memory_space<hbm>> -> memref<1000002x32xi32, #tpu.memory_space<hbm>>
    tpu.wait_indirect_dma semaphore(%arg7 : memref<!tpu.dma_semaphore, #tpu.memory_space<semaphore_mem>>) src(%dma_wait3A_199 : memref<1000002x32xi32, #tpu.memory_space<hbm>>) dst(%dma_wait3A_193 : memref<128x32xi32, #tpu.memory_space<vmem>>)
    %dma_wait3A_200 = arith.constant 7 : i32
    %dma_wait3A_201 = arith.constant 896 : i32
    %dma_wait3A_202 = arith.constant 0 : i32
    %dma_wait3A_203 = tpu.memref_slice %arg6[%dma_wait3A_201, %dma_wait3A_202] : memref<1280x32xi32, #tpu.memory_space<vmem>> -> memref<128x32xi32, #tpu.memory_space<vmem>>
    %dma_wait3A_204 = arith.constant 0 : i32
    %dma_wait3A_205 = tpu.memref_slice %arg5[%dma_wait3A_200, %dma_wait3A_204] : memref<10x128xi32, #tpu.memory_space<vmem>> -> memref<1x128xi32, #tpu.memory_space<vmem>>
    %dma_wait3A_206 = tpu.memref_squeeze %dma_wait3A_205 : memref<1x128xi32, #tpu.memory_space<vmem>> -> memref<128xi32, #tpu.memory_space<vmem>>
    %dma_wait3A_207 = arith.constant 0 : i32
    %dma_wait3A_208 = arith.constant 0 : i32
    %dma_wait3A_209 = tpu.memref_slice %arg2[%dma_wait3A_207, %dma_wait3A_208] : memref<1000002x32xi32, #tpu.memory_space<hbm>> -> memref<1000002x32xi32, #tpu.memory_space<hbm>>
    tpu.wait_indirect_dma semaphore(%arg7 : memref<!tpu.dma_semaphore, #tpu.memory_space<semaphore_mem>>) src(%dma_wait3A_209 : memref<1000002x32xi32, #tpu.memory_space<hbm>>) dst(%dma_wait3A_203 : memref<128x32xi32, #tpu.memory_space<vmem>>)
    %dma_wait3A_210 = arith.constant 8 : i32
    %dma_wait3A_211 = arith.constant 1024 : i32
    %dma_wait3A_212 = arith.constant 0 : i32
    %dma_wait3A_213 = tpu.memref_slice %arg6[%dma_wait3A_211, %dma_wait3A_212] : memref<1280x32xi32, #tpu.memory_space<vmem>> -> memref<128x32xi32, #tpu.memory_space<vmem>>
    %dma_wait3A_214 = arith.constant 0 : i32
    %dma_wait3A_215 = tpu.memref_slice %arg5[%dma_wait3A_210, %dma_wait3A_214] : memref<10x128xi32, #tpu.memory_space<vmem>> -> memref<1x128xi32, #tpu.memory_space<vmem>>
    %dma_wait3A_216 = tpu.memref_squeeze %dma_wait3A_215 : memref<1x128xi32, #tpu.memory_space<vmem>> -> memref<128xi32, #tpu.memory_space<vmem>>
    %dma_wait3A_217 = arith.constant 0 : i32
    %dma_wait3A_218 = arith.constant 0 : i32
    %dma_wait3A_219 = tpu.memref_slice %arg2[%dma_wait3A_217, %dma_wait3A_218] : memref<1000002x32xi32, #tpu.memory_space<hbm>> -> memref<1000002x32xi32, #tpu.memory_space<hbm>>
    tpu.wait_indirect_dma semaphore(%arg7 : memref<!tpu.dma_semaphore, #tpu.memory_space<semaphore_mem>>) src(%dma_wait3A_219 : memref<1000002x32xi32, #tpu.memory_space<hbm>>) dst(%dma_wait3A_213 : memref<128x32xi32, #tpu.memory_space<vmem>>)
    %dma_wait3A_220 = arith.constant 9 : i32
    %dma_wait3A_221 = arith.constant 1152 : i32
    %dma_wait3A_222 = arith.constant 0 : i32
    %dma_wait3A_223 = tpu.memref_slice %arg6[%dma_wait3A_221, %dma_wait3A_222] : memref<1280x32xi32, #tpu.memory_space<vmem>> -> memref<128x32xi32, #tpu.memory_space<vmem>>
    %dma_wait3A_224 = arith.constant 0 : i32
    %dma_wait3A_225 = tpu.memref_slice %arg5[%dma_wait3A_220, %dma_wait3A_224] : memref<10x128xi32, #tpu.memory_space<vmem>> -> memref<1x128xi32, #tpu.memory_space<vmem>>
    %dma_wait3A_226 = tpu.memref_squeeze %dma_wait3A_225 : memref<1x128xi32, #tpu.memory_space<vmem>> -> memref<128xi32, #tpu.memory_space<vmem>>
    %dma_wait3A_227 = arith.constant 0 : i32
    %dma_wait3A_228 = arith.constant 0 : i32
    %dma_wait3A_229 = tpu.memref_slice %arg2[%dma_wait3A_227, %dma_wait3A_228] : memref<1000002x32xi32, #tpu.memory_space<hbm>> -> memref<1000002x32xi32, #tpu.memory_space<hbm>>
    tpu.wait_indirect_dma semaphore(%arg7 : memref<!tpu.dma_semaphore, #tpu.memory_space<semaphore_mem>>) src(%dma_wait3A_229 : memref<1000002x32xi32, #tpu.memory_space<hbm>>) dst(%dma_wait3A_223 : memref<128x32xi32, #tpu.memory_space<vmem>>)
    "tpu.region"() ({
      %run_scoped3A_230 = tpu.sem_alloc : memref<!tpu.dma_semaphore, #tpu.memory_space<semaphore_mem>>
      %dma_start3A_231 = arith.constant 0 : i32
      %dma_start3A_232 = tpu.memref_slice %arg4[%mul3A_2, %dma_start3A_231] : memref<40960x32xi32, #tpu.memory_space<hbm>> -> memref<1280x32xi32, #tpu.memory_space<hbm>>
      %dma_start3A_233 = arith.constant 0 : i32
      %dma_start3A_234 = tpu.memref_slice %arg4[%mul3A_2, %dma_start3A_233] : memref<40960x32xi32, #tpu.memory_space<hbm>> -> memref<1280x32xi32, #tpu.memory_space<hbm>>
      tpu.enqueue_dma source(%arg6 : memref<1280x32xi32, #tpu.memory_space<vmem>>) target(%dma_start3A_234 : memref<1280x32xi32, #tpu.memory_space<hbm>>) target_semaphore(%run_scoped3A_230 : memref<!tpu.dma_semaphore, #tpu.memory_space<semaphore_mem>>)
      %dma_wait3A_235 = arith.constant 0 : i32
      %dma_wait3A_236 = tpu.memref_slice %arg4[%mul3A_2, %dma_wait3A_235] : memref<40960x32xi32, #tpu.memory_space<hbm>> -> memref<1280x32xi32, #tpu.memory_space<hbm>>
      %dma_wait3A_237 = arith.constant 0 : i32
      %dma_wait3A_238 = tpu.memref_slice %arg4[%mul3A_2, %dma_wait3A_237] : memref<40960x32xi32, #tpu.memory_space<hbm>> -> memref<1280x32xi32, #tpu.memory_space<hbm>>
      tpu.wait_dma2 semaphore(%run_scoped3A_230 : memref<!tpu.dma_semaphore, #tpu.memory_space<semaphore_mem>>) src(%arg6 : memref<1280x32xi32, #tpu.memory_space<vmem>>) dst(%dma_wait3A_238 : memref<1280x32xi32, #tpu.memory_space<hbm>>)
      tpu.yield
    }) : () -> ()
    return
  }
}

</mosaic_0001>

<sc_bundles>
// kernel: kernel.3.cloned.1.call-start
scs
__scs_entry_jumppad:
0x0: {  	(pc) =	sbr.rel $0x88, $3  }
0x1: {  	(tag) =	ssettag $0x0;
	lr =	simm.s32 $0x1  }
0x2: {  	[smem:$0x3F9F] =	sst lr;
	_ =	strace $0xD0000000  }
0x3: {  	_ = 	snop  }
0x4: {  	_ = 	snop  }
0x5: {  	_ = 	snop  }
0x6: {  	_ = 	snop  }
0x7: {  	_ = 	snop  }
__scs_overlays_trampoline_lowered:
0x8: {  	[smem:$0x3FAE] =	sst s0  }
0x9: {  	[smem:$0x3FAF] =	sst s1  }
0xa: {  	[smem:$0x3FB0] =	sst s2  }
0xb: {  	[smem:$0x3FB1] =	sst s3  }
0xc: {  	[smem:$0x3FB2] =	sst s4  }
0xd: {  	[smem:$0x3FB3] =	sst s5  }
0xe: {  	[smem:$0x3FB4] =	sst s6  }
0xf: {  	[smem:$0x3FB5] =	sst s7  }
0x10: {  	[smem:$0x3FB6] =	sst s8  }
0x11: {  	[smem:$0x3FB7] =	sst s9;
	s0 =	simm.s32 @!p0 $0x0  }
0x12: {  	s1 =	sld [smem:$0x3F9D];
	s0 =	simm.s32 @p0 $0x1  }
0x13: {  	[smem:$0x3FB8] =	sst s0;
	s0 =	simm.s32 @!p1 $0x0  }
0x14: {  	s2 =	sld [smem:$0x3F9C];
	s0 =	simm.s32 @p1 $0x1  }
0x15: {  	[smem:$0x3FB9] =	sst s0;
	s0 =	simm.s32 @!p2 $0x0  }
0x16: {  	s3 =	sld [smem:$0x3FDB];
	s0 =	simm.s32 @p2 $0x1  }
0x17: {  	s4 =	simm.s32 $0x1BF5;
	[smem:$0x3FBB] =	sst s0  }
0x18: {  	s0 =	sld [smem:$0x3F9E];
	_ =	swait.ge [sflag:s4], $0x0  }
0x19: {  	s7 =	sld [smem:$0x3F9F]  }
0x1a: {  	s8 =	sadd.s32 $0xFFFFE003, lr  }
0x1b: {  	s9 =	sadd.s32 $0xFFFFFEF7, lr;
	s5 =	simm.s32 $0xFFFFFFFF;
	p2 =	slt.u32 s8, $0xFFFFF086  }
0x1c: {  	p1 =	slt.u32 s9, $0xF7A;
	s5 =	simm.s32 @!p2 $0x0  }
0x1d: {  	s5 =	simm.s32 @p1 $0x1;
	p0 =	seq.s32 s7, s2  }
0x1e: {  	s7 =	smul.u32 @!p0 $0xF7A, s2;
	p2 =	seq.s32 @!p0 s5, $0x0  }
0x1f: {  	s9 =	smul.u32 $0xF7A, s1;
	s8 =	simm.s32 @!p0 $0x1BF5;
	p2 =	por !p2, p0  }
0x20: {  	[sflag:s8] =	ssyncset.s32 @!p0 $0xFFFFF086;
	s6 =	sadd.s32 @!p0 s3, s7;
	s7 =	simm.s32 @!p0 $0x108  }
0x21: {  	s3 =	sadd.s32 s3, s9;
	s6 =	sadd.s32 @!p0 $0x88, s6;
	s7 =	simm.s32 @p2 $0x1082  }
0x22: {  	[simem:s7], [sflag:s8] =	dma.local @!p0 [hbm:s6], $0xF7A  }
0x23: {  	s9 =	sor.u32 $0xD0000000, s2;
	s6 =	simm.s32 $0x108;
	_ =	swait.ge @!p0 [sflag:s8], $0x0  }
0x24: {  	s3 =	sadd.s32 $0x88, s3;
	s6 =	simm.s32 @!p1 $0x1082;
	[sflag:s4] =	ssyncset.s32 $0xFFFFF086  }
0x25: {  	[simem:s6], [sflag:s4] =	dma.local [hbm:s3], $0xF7A  }
0x26: {  	[smem:$0x3F9F] =	sst s1;
	(tag) =	ssettag s2;
	_ =	strace s9  }
0x27: {  	s1 =	sld [smem:$0x3FAF]  }
0x28: {  	s2 =	sld [smem:$0x3FB0]  }
0x29: {  	s4 =	sld [smem:$0x3FB2]  }
0x2a: {  	p0 =	seq.s32 s5, $0x0;
	s5 =	sld [smem:$0x3FB3]  }
0x2b: {  	s6 =	sld [smem:$0x3FB4]  }
0x2c: {  	s7 =	sld [smem:$0x3FB5]  }
0x2d: {  	s3 =	simm.s32 $0x108;
	s8 =	sld [smem:$0x3FB6]  }
0x2e: {  	s3 =	simm.s32 @!p0 $0x1082;
	s9 =	sld [smem:$0x3FB7]  }
0x2f: {  	lr =	sadd.s32 s0, s3;
	s0 =	sld [smem:$0x3FAE]  }
0x30: {  	s3 =	sld [smem:$0x3FB1]  }
0x31: {  	[smem:$0x3FBA] =	sst s10  }
0x32: {  	s10 =	sld [smem:$0x3FB8];
	_ =	sdelay $0x3  }
0x33: {  	p0 =	seq.s32 s10, $0x1;
	s10 =	sld [smem:$0x3FBA];
	_ =	sdelay $0x3  }
0x34: {  	[smem:$0x3FBA] =	sst s10  }
0x35: {  	s10 =	sld [smem:$0x3FB9];
	_ =	sdelay $0x3  }
0x36: {  	p1 =	seq.s32 s10, $0x1;
	s10 =	sld [smem:$0x3FBA];
	_ =	sdelay $0x3  }
0x37: {  	[smem:$0x3FBA] =	sst s10  }
0x38: {  	s10 =	sld [smem:$0x3FBB]  }
0x39: {  	_ = 	snop;
	(pc) =	sbr.ind lr, $3  }
0x3a: {  	_ = 	snop  }
0x3b: {  	_ = 	snop  }
0x3c: {  	p2 =	seq.s32 s10, $0x1;
	s10 =	sld [smem:$0x3FBA]  }
0x3d: {  	_ =	shalt  }
0x3e: {  	_ =	shalt  }
0x3f: {  	_ =	shalt  }
0x40: {  	_ =	shalt  }
0x41: {  	_ =	shalt  }
0x42: {  	_ =	shalt  }
0x43: {  	_ =	shalt  }
0x44: {  	_ =	shalt  }
0x45: {  	_ =	shalt  }
0x46: {  	_ =	shalt  }
0x47: {  	_ =	shalt  }
0x48: {  	_ =	shalt  }
0x49: {  	_ =	shalt  }
0x4a: {  	_ =	shalt  }
0x4b: {  	_ =	shalt  }
0x4c: {  	_ =	shalt  }
0x4d: {  	_ =	shalt  }
0x4e: {  	_ =	shalt  }
0x4f: {  	_ =	shalt  }
0x50: {  	_ =	shalt  }
0x51: {  	_ =	shalt  }
0x52: {  	_ =	shalt  }
0x53: {  	_ =	shalt  }
0x54: {  	_ =	shalt  }
0x55: {  	_ =	shalt  }
0x56: {  	_ =	shalt  }
0x57: {  	_ =	shalt  }
0x58: {  	_ =	shalt  }
0x59: {  	_ =	shalt  }
0x5a: {  	_ =	shalt  }
0x5b: {  	_ =	shalt  }
0x5c: {  	_ =	shalt  }
0x5d: {  	_ =	shalt  }
0x5e: {  	_ =	shalt  }
0x5f: {  	_ =	shalt  }
0x60: {  	_ =	shalt  }
0x61: {  	_ =	shalt  }
0x62: {  	_ =	shalt  }
0x63: {  	_ =	shalt  }
0x64: {  	_ =	shalt  }
0x65: {  	_ =	shalt  }
0x66: {  	_ =	shalt  }
0x67: {  	_ =	shalt  }
0x68: {  	_ =	shalt  }
0x69: {  	_ =	shalt  }
0x6a: {  	_ =	shalt  }
0x6b: {  	_ =	shalt  }
0x6c: {  	_ =	shalt  }
0x6d: {  	_ =	shalt  }
0x6e: {  	_ =	shalt  }
0x6f: {  	_ =	shalt  }
0x70: {  	_ =	shalt  }
0x71: {  	_ =	shalt  }
0x72: {  	_ =	shalt  }
0x73: {  	_ =	shalt  }
0x74: {  	_ =	shalt  }
0x75: {  	_ =	shalt  }
0x76: {  	_ =	shalt  }
0x77: {  	_ =	shalt  }
0x78: {  	_ =	shalt  }
0x79: {  	_ =	shalt  }
0x7a: {  	_ =	shalt  }
0x7b: {  	_ =	shalt  }
0x7c: {  	_ =	shalt  }
0x7d: {  	_ =	shalt  }
0x7e: {  	_ =	shalt  }
0x7f: {  	_ =	shalt  }
0x80: {  	_ =	shalt  }
0x81: {  	_ =	shalt  }
0x82: {  	_ =	shalt  }
0x83: {  	_ =	shalt  }
0x84: {  	_ =	shalt  }
0x85: {  	_ =	shalt  }
0x86: {  	_ =	shalt  }
0x87: {  	_ =	shalt  }
.Lfunc_end0:
.L_simem_size_0:
called_computation_lowered:
.L_overlay_start_0:
0x88: {  	s2 =	sld [smem:$0x3FD9]  }
0x89: {  	s3 =	sld [smem:$0x3FFE];
	_ =	sdelay $0x1  }
0x8a: {  	s1 =	srdreg.scid  }
0x8b: {  	s0 =	sand.u32 $0x1, s1  }
0x8c: {  	s17 =	sshll.u32 s0, $0xA;
	s2 =	sadd.s32 s3, s2  }
0x8d: {  	s2 =	sadd.s32 s2, s17  }
0x8e: {  	[smem:$0x3FC6] =	sst s2  }
0x8f: {  	_ = 	snop  }
0x90: {  	s2 =	sld [smem:$0x3FD0];
	(tm) =	ssettm $0x1  }
0x91: {  	s18 =	sld [smem:$0x3FFB];
	_ =	sdelay $0x3  }
0x92: {  	_ =	strace s18  }
0x93: {  	s3 =	sld [smem:$0x3FFC];
	_ =	sdelay $0x3  }
0x94: {  	_ =	strace s3  }
0x95: {  	s3 =	sld [smem:$0x3FFD];
	_ =	sdelay $0x3  }
0x96: {  	_ =	strace s3  }
0x97: {  	_ =	strace $0x8FFFFFFF  }
0x98: {  	s19 =	sld [smem:$0x3FDB];
	_ =	sdelay $0x1  }
0x99: {  	s4 =	simm.s32 $_scs_section_size  }
0x9a: {  	s5 =	simm.s32 $_size__tile_overlayer_lowered;
	s6 =	simm.s32 $_tile_overlayer_lowered  }
0x9b: {  	s22 =	simm.s32 $0x1BFF;
	s21 =	sshll.u32 s6, $0x1;
	s3 =	sadd.s32 s4, s19  }
0x9c: {  	s7 =	simm.s32 $0x0;
	s20 =	sshll.u32 s5, $0x1;
	s5 =	sadd.s32 s21, s3  }
0x9d: {  	[timem:s7], [sflag:s22] =	dma.local [hbm:s5], s20  }
0x9e: {  	_ =	swait.ge [sflag:s22], s20  }
0x9f: {  	s4 =	ssub.s32 $0x0, s20;
	[sflag:s22] =	ssyncset.done $0x0  }
0xa0: {  	[sflag:s22] =	ssyncadd.s32 s4;
	_ =	sdelay $0x1  }
0xa1: {  	s23 =	simm.s32 $0x1B8B  }
0xa2: {  	_ =	swait.ge [sflag:s23], $0x1  }
0xa3: {  	[sflag:s23] =	ssyncset.done $0x0  }
0xa4: {  	s25 =	simm.s32 $0x1B8E;
	s24 =	sld [smem:$0x3FFE];
	[sflag:s23] =	ssyncadd.s32 $0xFFFFFFFF  }
0xa5: {  	s26 =	simm.s32 $execute0_lowered;
	[smem:$0x3FD2] =	sst s25  }
0xa6: {  	s5 =	sshll.u32 s26, $0x1;
	_ =	strace $0x80000046;
	[dreg:$0x1] =	wrdreg $0xFFFFFFFF  }
0xa7: {  	s28 =	simm.s32 $_size_execute0_lowered;
	s3 =	sadd.s32 s3, s5;
	[dreg:$0x0] =	wrdreg $0x0  }
0xa8: {  	s5 =	sshll.u32 s28, $0x1;
	[dreg:$0x2] =	wrdreg s3  }
0xa9: {  	[dreg:$0x3] =	wrdreg s5  }
0xaa: {  	[dreg:$0x4] =	wrdreg $0xC0  }
0xab: {  	_ =	task [dreg:s7], $0x5FFFF  }
0xac: {  	[dreg:$0x1] =	wrdreg $0xFFFFFFFF  }
0xad: {  	[dreg:$0x0] =	wrdreg $0x60  }
0xae: {  	[dreg:$0x2] =	wrdreg s24  }
0xaf: {  	[dreg:$0x3] =	wrdreg s2  }
0xb0: {  	[dreg:$0x4] =	wrdreg $0x9  }
0xb1: {  	_ =	task.clear_ibuf [dreg:s7], $0x5FFFF;
	_ =	strace $0x90000046  }
0xb2: {  	s29 =	simm.s32 $0x9;
	_ =	strace $0x80000048  }
0xb3: {  	_ =	swait.ge [sflag:s29], $0x1  }
0xb4: {  	[sflag:s29] =	ssyncadd.s32 $0xFFFFFFFF  }
0xb5: {  	_ =	strace $0x90000048  }
0xb6: {  	_ =	sfence  }
0xb7: {  	s30 =	sld [smem:$0x0];
	_ =	sdelay $0x2  }
0xb8: {  	s31 =	sshll.u32 s1, $0xD;
	s1 =	sshrl.u32 s1, $0x2  }
0xb9: {  	s3 =	sand.u32 $0x4000, s31;
	s1 =	sadd.s32 s1, s30  }
0xba: {  	s0 =	sor.u32 s3, s0;
	s1 =	sshll.u32 s1, $0x11  }
0xbb: {  	s0 =	sor.u32 s1, s0  }
0xbc: {  	s0 =	sadd.s32 $0x8F2B, s0  }
0xbd: {  	[sflag:s0] =	ssyncadd.remote.s32 $0x1  }
0xbe: {  	_ =	sfence.sel $0xFFFF  }
0xbf: {  	[dreg:$0x0] =	wrdreg $0xFFFFFFFF;
	(pc) =	sbr.abs _section_cstart, $3  }
0xc0: {  	[dreg:$0x1] =	wrdreg $0xFFFFFFFF  }
0xc1: {  	_ =	task.clear_ibuf [dreg:s7], $0x2FFFF;
	_ =	strace $0x9FFFFFFF  }
0xc2: {  	(tm) =	ssettm $0x7FFFFFFF  }
0xc3: {  	_ =	shalt  }
tec
execute0_lowered:
.L_overlay_start_1:
0x0: {  	(tag) =	ssettag $0x1  }
0x1: {  	s0 =	srdreg.scid;
	s3 =	rddreg [dreg:$0x0]  }
0x2: {  	s1 =	stileid.u32;
	s4 =	rddreg [dreg:$0x1]  }
0x3: {  	s2 =	simm.s32 $0x0;
	s9 =	simm.s32 $0x100;
	s10 =	simm.s32 $0x180  }
0x4: {  	s11 =	simm.s32 $0x200;
	s12 =	simm.s32 $0x280;
	s13 =	simm.s32 $0x300  }
0x5: {  	s14 =	simm.s32 $0x380;
	s15 =	simm.s32 $0x400;
	s16 =	simm.s32 $0x480  }
0x6: {  	s22 =	simm.s32 $0x1500;
	p0 =	por $0x0, $0x0;
	s28 =	simm.s32 $0x6500  }
0x7: {  	s29 =	simm.s32 $0x7500;
	s0 =	sand.u32 $0x1, s0;
	s1 =	sshll.u32 s1, $0x1  }
0x8: {  	s30 =	simm.s32 $0x8500;
	s31 =	simm.s32 $0x9500;
	s1 =	sor.u32 s0, s1  }
0x9: {  	[smem:$0x7FF] =	sst s2;
	s0 =	ssub.s32 $0x2, s0;
	s5 =	smul.u32 $0x500, s1  }
0xa: {  	s6 =	sadd.s32 $0x600, s3;
	s7 =	sshrl.u32 s0, $0x1;
	s1 =	smul.u32 $0x1400, s1  }
0xb: {  	_ =	strace $0x80000047;
	s0 =	ssub.s32 s0, s7;
	s7 =	simm.s32 $0x1  }
0xc: {  	s5 =	sshrl.u32 s5, $0x3;
	s4 =	sadd.s32 s4, s1;
	s0 =	smax.u32 s0, $0x1  }
0xd: {  	s5 =	sadd.s32 s5, s3;
	s3 =	simm.s32 $0x2;
	p1 =	sne.s32 s0, $0x1  }
0xe: {  	s1 =	sadd.s32 $0xFFFFFFFF, s0;
	s23 =	sadd.s32 $0x3D1000, s5;
	s24 =	sadd.s32 $0x3D1010, s5  }
0xf: {  	s25 =	sadd.s32 $0x3D1020, s5;
	s26 =	sadd.s32 $0x3D1030, s5;
	[dreg:$0x3] =	wrdreg s23  }
0x10: {  	s8 =	sadd.s32 $0x3D1040, s5;
	s21 =	sadd.s32 $0x3D1050, s5;
	[dreg:$0x4] =	wrdreg s24  }
.Ltmp0:
0x11: {  	s20 =	sadd.s32 $0x3D1060, s5;
	[dreg:$0x5] =	wrdreg s25;
	(pc) =	sbr.rel @!p1 .LBB2_3-.Ltmp0, $4  }
0x12: {  	s19 =	sadd.s32 $0x3D1070, s5;
	s18 =	sadd.s32 $0x3D1080, s5;
	[dreg:$0x6] =	wrdreg s26  }
0x13: {  	s17 =	sadd.s32 $0x3D1090, s5;
	s5 =	simm.s32 $0x500;
	[dreg:$0x7] =	wrdreg s8  }
0x14: {  	s8 =	simm.s32 $0x80;
	s23 =	simm.s32 $0x2500;
	s24 =	simm.s32 $0x3500  }
0x15: {  	s25 =	simm.s32 $0x4500;
	s26 =	simm.s32 $0x5500;
	s0 =	rddreg [dreg:$0x3]  }
0x16: {  	[tilespmem:s2], [sflag:$0x2] =	stream.linear.gather [hbm4b:s0+s2], $0x80, $0x38;
	[tilespmem:$0xA500] =	vst v63  }
0x17: {  	_ =	swait.ge [sflag:s3], $0x80  }
0x18: {  	[sflag:s3] =	ssyncset.done $0x0  }
0x19: {  	s0 =	rddreg [dreg:$0x4];
	[sflag:s3] =	ssyncadd.s32 $0xFFFFFF80  }
0x1a: {  	[tilespmem:s8], [sflag:$0x2] =	stream.linear.gather [hbm4b:s0+s2], $0x80, $0x38;
	[tilespmem:$0xA500] =	vst v63  }
0x1b: {  	_ =	swait.ge [sflag:s3], $0x80  }
0x1c: {  	[sflag:s3] =	ssyncset.done $0x0  }
0x1d: {  	s0 =	rddreg [dreg:$0x5];
	[sflag:s3] =	ssyncadd.s32 $0xFFFFFF80  }
0x1e: {  	[tilespmem:s9], [sflag:$0x2] =	stream.linear.gather [hbm4b:s0+s2], $0x80, $0x38;
	[tilespmem:$0xA500] =	vst v63  }
0x1f: {  	_ =	swait.ge [sflag:s3], $0x80  }
0x20: {  	[sflag:s3] =	ssyncset.done $0x0  }
0x21: {  	s0 =	rddreg [dreg:$0x6];
	[sflag:s3] =	ssyncadd.s32 $0xFFFFFF80  }
0x22: {  	[tilespmem:s10], [sflag:$0x2] =	stream.linear.gather [hbm4b:s0+s2], $0x80, $0x38;
	[tilespmem:$0xA500] =	vst v63  }
0x23: {  	_ =	swait.ge [sflag:s3], $0x80  }
0x24: {  	[sflag:s3] =	ssyncset.done $0x0  }
0x25: {  	s0 =	rddreg [dreg:$0x7];
	[sflag:s3] =	ssyncadd.s32 $0xFFFFFF80  }
0x26: {  	[tilespmem:s11], [sflag:$0x2] =	stream.linear.gather [hbm4b:s0+s2], $0x80, $0x38;
	[tilespmem:$0xA500] =	vst v63  }
0x27: {  	_ =	swait.ge [sflag:s3], $0x80  }
0x28: {  	[sflag:s3] =	ssyncset.done $0x0  }
0x29: {  	[sflag:s3] =	ssyncadd.s32 $0xFFFFFF80  }
0x2a: {  	[tilespmem:s12], [sflag:$0x2] =	stream.linear.gather [hbm4b:s21+s2], $0x80, $0x38;
	[tilespmem:$0xA500] =	vst v63  }
0x2b: {  	_ =	swait.ge [sflag:s3], $0x80  }
0x2c: {  	[sflag:s3] =	ssyncset.done $0x0  }
0x2d: {  	[sflag:s3] =	ssyncadd.s32 $0xFFFFFF80  }
0x2e: {  	[tilespmem:s13], [sflag:$0x2] =	stream.linear.gather [hbm4b:s20+s2], $0x80, $0x38;
	[tilespmem:$0xA500] =	vst v63  }
0x2f: {  	_ =	swait.ge [sflag:s3], $0x80  }
0x30: {  	[sflag:s3] =	ssyncset.done $0x0  }
0x31: {  	[sflag:s3] =	ssyncadd.s32 $0xFFFFFF80  }
0x32: {  	[tilespmem:s14], [sflag:$0x2] =	stream.linear.gather [hbm4b:s19+s2], $0x80, $0x38;
	[tilespmem:$0xA500] =	vst v63  }
0x33: {  	_ =	swait.ge [sflag:s3], $0x80  }
0x34: {  	[sflag:s3] =	ssyncset.done $0x0  }
0x35: {  	[sflag:s3] =	ssyncadd.s32 $0xFFFFFF80  }
0x36: {  	[tilespmem:s15], [sflag:$0x2] =	stream.linear.gather [hbm4b:s18+s2], $0x80, $0x38;
	[tilespmem:$0xA500] =	vst v63  }
0x37: {  	_ =	swait.ge [sflag:s3], $0x80  }
0x38: {  	[sflag:s3] =	ssyncset.done $0x0  }
0x39: {  	[sflag:s3] =	ssyncadd.s32 $0xFFFFFF80  }
0x3a: {  	[tilespmem:s16], [sflag:$0x2] =	stream.linear.gather [hbm4b:s17+s2], $0x80, $0x38;
	[tilespmem:$0xA500] =	vst v63  }
0x3b: {  	_ =	swait.ge [sflag:s3], $0x80  }
0x3c: {  	[sflag:s3] =	ssyncset.done $0x0  }
0x3d: {  	[sflag:s3] =	ssyncadd.s32 $0xFFFFFF80  }
0x3e: {  	[tilespmem:s5], [sflag:$0x1] =	stream.indirect.gather [hbm4b:s6+s8], $0x20, s2, s8, $0xb8;
	[tilespmem:$0xA500] =	vst v63  }
0x3f: {  	_ = 	snop  }
0x40: {  	[tilespmem:s22], [sflag:$0x1] =	stream.indirect.gather [hbm4b:s6+s8], $0x20, s8, s8, $0xb8;
	[tilespmem:$0xA500] =	vst v63  }
0x41: {  	_ = 	snop  }
0x42: {  	[tilespmem:s23], [sflag:$0x1] =	stream.indirect.gather [hbm4b:s6+s8], $0x20, s9, s8, $0xb8;
	[tilespmem:$0xA500] =	vst v63  }
0x43: {  	_ = 	snop  }
0x44: {  	[tilespmem:s24], [sflag:$0x1] =	stream.indirect.gather [hbm4b:s6+s8], $0x20, s10, s8, $0xb8;
	[tilespmem:$0xA500] =	vst v63  }
0x45: {  	_ = 	snop  }
0x46: {  	[tilespmem:s25], [sflag:$0x1] =	stream.indirect.gather [hbm4b:s6+s8], $0x20, s11, s8, $0xb8;
	[tilespmem:$0xA500] =	vst v63  }
0x47: {  	_ = 	snop  }
0x48: {  	[tilespmem:s26], [sflag:$0x1] =	stream.indirect.gather [hbm4b:s6+s8], $0x20, s12, s8, $0xb8;
	[tilespmem:$0xA500] =	vst v63  }
0x49: {  	_ = 	snop  }
0x4a: {  	[tilespmem:s28], [sflag:$0x1] =	stream.indirect.gather [hbm4b:s6+s8], $0x20, s13, s8, $0xb8;
	[tilespmem:$0xA500] =	vst v63  }
0x4b: {  	_ = 	snop  }
0x4c: {  	[tilespmem:s29], [sflag:$0x1] =	stream.indirect.gather [hbm4b:s6+s8], $0x20, s14, s8, $0xb8;
	[tilespmem:$0xA500] =	vst v63  }
0x4d: {  	_ = 	snop  }
0x4e: {  	[tilespmem:s30], [sflag:$0x1] =	stream.indirect.gather [hbm4b:s6+s8], $0x20, s15, s8, $0xb8;
	[tilespmem:$0xA500] =	vst v63  }
0x4f: {  	_ = 	snop  }
0x50: {  	[tilespmem:s31], [sflag:$0x1] =	stream.indirect.gather [hbm4b:s6+s8], $0x20, s16, s8, $0xb8;
	[tilespmem:$0xA500] =	vst v63  }
0x51: {  	_ =	swait.ge [sflag:s7], $0x1000  }
0x52: {  	[sflag:s7] =	ssyncset.done $0x0  }
0x53: {  	[sflag:s7] =	ssyncadd.s32 $0xFFFFF000  }
0x54: {  	_ =	swait.ge [sflag:s7], $0x1000  }
0x55: {  	[sflag:s7] =	ssyncset.done $0x0  }
0x56: {  	[sflag:s7] =	ssyncadd.s32 $0xFFFFF000  }
0x57: {  	_ =	swait.ge [sflag:s7], $0x1000  }
0x58: {  	[sflag:s7] =	ssyncset.done $0x0  }
0x59: {  	[sflag:s7] =	ssyncadd.s32 $0xFFFFF000  }
0x5a: {  	_ =	swait.ge [sflag:s7], $0x1000  }
0x5b: {  	[sflag:s7] =	ssyncset.done $0x0  }
0x5c: {  	[sflag:s7] =	ssyncadd.s32 $0xFFFFF000  }
0x5d: {  	_ =	swait.ge [sflag:s7], $0x1000  }
0x5e: {  	[sflag:s7] =	ssyncset.done $0x0  }
0x5f: {  	[sflag:s7] =	ssyncadd.s32 $0xFFFFF000  }
0x60: {  	_ =	swait.ge [sflag:s7], $0x1000  }
0x61: {  	[sflag:s7] =	ssyncset.done $0x0  }
0x62: {  	[sflag:s7] =	ssyncadd.s32 $0xFFFFF000  }
0x63: {  	_ =	swait.ge [sflag:s7], $0x1000  }
0x64: {  	[sflag:s7] =	ssyncset.done $0x0  }
0x65: {  	[sflag:s7] =	ssyncadd.s32 $0xFFFFF000  }
0x66: {  	_ =	swait.ge [sflag:s7], $0x1000  }
0x67: {  	[sflag:s7] =	ssyncset.done $0x0  }
0x68: {  	[sflag:s7] =	ssyncadd.s32 $0xFFFFF000  }
0x69: {  	_ =	swait.ge [sflag:s7], $0x1000  }
0x6a: {  	[sflag:s7] =	ssyncset.done $0x0  }
0x6b: {  	[sflag:s7] =	ssyncadd.s32 $0xFFFFF000  }
0x6c: {  	p1 =	sne.s32 s1, $0x1;
	_ =	swait.ge [sflag:s7], $0x1000  }
.Ltmp1:
0x6d: {  	[sflag:s7] =	ssyncset.done $0x0;
	(pc) =	sbr.rel @!p1 .LBB2_3-.Ltmp1, $4  }
0x6e: {  	[sflag:s7] =	ssyncadd.s32 $0xFFFFF000  }
0x6f: {  	[hbm4b:s4+s2] =	stream.linear.scatter [tilespmem:s5], [sflag:$0x2], $0xA000, $0x38;
	[tilespmem:$0xA500] =	vst v63  }
0x70: {  	s1 =	sadd.s32 $0xFFFFFFFF, s1;
	_ =	swait.ge [sflag:s3], $0xA000  }
0x71: {  	p0 =	por $0x1, $0x1;
	s0 =	rddreg [dreg:$0x3];
	[sflag:s3] =	ssyncset.done $0x0  }
.LBB2_2:
0x72: {  	[sflag:s3] =	ssyncadd.s32 $0xFFFF6000  }
0x73: {  	[tilespmem:s2], [sflag:$0x2] =	stream.linear.gather [hbm4b:s0+s2], $0x80, $0x38;
	[tilespmem:$0xA500] =	vst v63  }
0x74: {  	_ =	swait.ge [sflag:s3], $0x80  }
0x75: {  	[sflag:s3] =	ssyncset.done $0x0  }
0x76: {  	s0 =	rddreg [dreg:$0x4];
	[sflag:s3] =	ssyncadd.s32 $0xFFFFFF80  }
0x77: {  	[tilespmem:s8], [sflag:$0x2] =	stream.linear.gather [hbm4b:s0+s2], $0x80, $0x38;
	[tilespmem:$0xA500] =	vst v63  }
0x78: {  	_ =	swait.ge [sflag:s3], $0x80  }
0x79: {  	[sflag:s3] =	ssyncset.done $0x0  }
0x7a: {  	s0 =	rddreg [dreg:$0x5];
	[sflag:s3] =	ssyncadd.s32 $0xFFFFFF80  }
0x7b: {  	[tilespmem:s9], [sflag:$0x2] =	stream.linear.gather [hbm4b:s0+s2], $0x80, $0x38;
	[tilespmem:$0xA500] =	vst v63  }
0x7c: {  	_ =	swait.ge [sflag:s3], $0x80  }
0x7d: {  	[sflag:s3] =	ssyncset.done $0x0  }
0x7e: {  	s0 =	rddreg [dreg:$0x6];
	[sflag:s3] =	ssyncadd.s32 $0xFFFFFF80  }
0x7f: {  	[tilespmem:s10], [sflag:$0x2] =	stream.linear.gather [hbm4b:s0+s2], $0x80, $0x38;
	[tilespmem:$0xA500] =	vst v63  }
0x80: {  	_ =	swait.ge [sflag:s3], $0x80  }
0x81: {  	[sflag:s3] =	ssyncset.done $0x0  }
0x82: {  	s0 =	rddreg [dreg:$0x7];
	[sflag:s3] =	ssyncadd.s32 $0xFFFFFF80  }
0x83: {  	[tilespmem:s11], [sflag:$0x2] =	stream.linear.gather [hbm4b:s0+s2], $0x80, $0x38;
	[tilespmem:$0xA500] =	vst v63  }
0x84: {  	_ =	swait.ge [sflag:s3], $0x80  }
0x85: {  	[sflag:s3] =	ssyncset.done $0x0  }
0x86: {  	[sflag:s3] =	ssyncadd.s32 $0xFFFFFF80  }
0x87: {  	[tilespmem:s12], [sflag:$0x2] =	stream.linear.gather [hbm4b:s21+s2], $0x80, $0x38;
	[tilespmem:$0xA500] =	vst v63  }
0x88: {  	_ =	swait.ge [sflag:s3], $0x80  }
0x89: {  	[sflag:s3] =	ssyncset.done $0x0  }
0x8a: {  	[sflag:s3] =	ssyncadd.s32 $0xFFFFFF80  }
0x8b: {  	[tilespmem:s13], [sflag:$0x2] =	stream.linear.gather [hbm4b:s20+s2], $0x80, $0x38;
	[tilespmem:$0xA500] =	vst v63  }
0x8c: {  	_ =	swait.ge [sflag:s3], $0x80  }
0x8d: {  	[sflag:s3] =	ssyncset.done $0x0  }
0x8e: {  	[sflag:s3] =	ssyncadd.s32 $0xFFFFFF80  }
0x8f: {  	[tilespmem:s14], [sflag:$0x2] =	stream.linear.gather [hbm4b:s19+s2], $0x80, $0x38;
	[tilespmem:$0xA500] =	vst v63  }
0x90: {  	_ =	swait.ge [sflag:s3], $0x80  }
0x91: {  	[sflag:s3] =	ssyncset.done $0x0  }
0x92: {  	[sflag:s3] =	ssyncadd.s32 $0xFFFFFF80  }
0x93: {  	[tilespmem:s15], [sflag:$0x2] =	stream.linear.gather [hbm4b:s18+s2], $0x80, $0x38;
	[tilespmem:$0xA500] =	vst v63  }
0x94: {  	_ =	swait.ge [sflag:s3], $0x80  }
0x95: {  	[sflag:s3] =	ssyncset.done $0x0  }
0x96: {  	[sflag:s3] =	ssyncadd.s32 $0xFFFFFF80  }
0x97: {  	[tilespmem:s16], [sflag:$0x2] =	stream.linear.gather [hbm4b:s17+s2], $0x80, $0x38;
	[tilespmem:$0xA500] =	vst v63  }
0x98: {  	_ =	swait.ge [sflag:s3], $0x80  }
0x99: {  	[sflag:s3] =	ssyncset.done $0x0  }
0x9a: {  	[sflag:s3] =	ssyncadd.s32 $0xFFFFFF80  }
0x9b: {  	[tilespmem:s5], [sflag:$0x1] =	stream.indirect.gather [hbm4b:s6+s8], $0x20, s2, s8, $0xb8;
	[tilespmem:$0xA500] =	vst v63  }
0x9c: {  	_ = 	snop  }
0x9d: {  	[tilespmem:s22], [sflag:$0x1] =	stream.indirect.gather [hbm4b:s6+s8], $0x20, s8, s8, $0xb8;
	[tilespmem:$0xA500] =	vst v63  }
0x9e: {  	_ = 	snop  }
0x9f: {  	[tilespmem:s23], [sflag:$0x1] =	stream.indirect.gather [hbm4b:s6+s8], $0x20, s9, s8, $0xb8;
	[tilespmem:$0xA500] =	vst v63  }
0xa0: {  	_ = 	snop  }
0xa1: {  	[tilespmem:s24], [sflag:$0x1] =	stream.indirect.gather [hbm4b:s6+s8], $0x20, s10, s8, $0xb8;
	[tilespmem:$0xA500] =	vst v63  }
0xa2: {  	_ = 	snop  }
0xa3: {  	[tilespmem:s25], [sflag:$0x1] =	stream.indirect.gather [hbm4b:s6+s8], $0x20, s11, s8, $0xb8;
	[tilespmem:$0xA500] =	vst v63  }
0xa4: {  	_ = 	snop  }
0xa5: {  	[tilespmem:s26], [sflag:$0x1] =	stream.indirect.gather [hbm4b:s6+s8], $0x20, s12, s8, $0xb8;
	[tilespmem:$0xA500] =	vst v63  }
0xa6: {  	_ = 	snop  }
0xa7: {  	[tilespmem:s28], [sflag:$0x1] =	stream.indirect.gather [hbm4b:s6+s8], $0x20, s13, s8, $0xb8;
	[tilespmem:$0xA500] =	vst v63  }
0xa8: {  	_ = 	snop  }
0xa9: {  	[tilespmem:s29], [sflag:$0x1] =	stream.indirect.gather [hbm4b:s6+s8], $0x20, s14, s8, $0xb8;
	[tilespmem:$0xA500] =	vst v63  }
0xaa: {  	_ = 	snop  }
0xab: {  	[tilespmem:s30], [sflag:$0x1] =	stream.indirect.gather [hbm4b:s6+s8], $0x20, s15, s8, $0xb8;
	[tilespmem:$0xA500] =	vst v63  }
0xac: {  	_ = 	snop  }
0xad: {  	[tilespmem:s31], [sflag:$0x1] =	stream.indirect.gather [hbm4b:s6+s8], $0x20, s16, s8, $0xb8;
	[tilespmem:$0xA500] =	vst v63  }
0xae: {  	_ =	swait.ge [sflag:s7], $0x1000  }
0xaf: {  	[sflag:s7] =	ssyncset.done $0x0  }
0xb0: {  	[sflag:s7] =	ssyncadd.s32 $0xFFFFF000  }
0xb1: {  	_ =	swait.ge [sflag:s7], $0x1000  }
0xb2: {  	[sflag:s7] =	ssyncset.done $0x0  }
0xb3: {  	[sflag:s7] =	ssyncadd.s32 $0xFFFFF000  }
0xb4: {  	_ =	swait.ge [sflag:s7], $0x1000  }
0xb5: {  	[sflag:s7] =	ssyncset.done $0x0  }
0xb6: {  	[sflag:s7] =	ssyncadd.s32 $0xFFFFF000  }
0xb7: {  	_ =	swait.ge [sflag:s7], $0x1000  }
0xb8: {  	[sflag:s7] =	ssyncset.done $0x0  }
0xb9: {  	[sflag:s7] =	ssyncadd.s32 $0xFFFFF000  }
0xba: {  	_ =	swait.ge [sflag:s7], $0x1000  }
0xbb: {  	[sflag:s7] =	ssyncset.done $0x0  }
0xbc: {  	[sflag:s7] =	ssyncadd.s32 $0xFFFFF000  }
0xbd: {  	_ =	swait.ge [sflag:s7], $0x1000  }
0xbe: {  	[sflag:s7] =	ssyncset.done $0x0  }
0xbf: {  	[sflag:s7] =	ssyncadd.s32 $0xFFFFF000  }
0xc0: {  	_ =	swait.ge [sflag:s7], $0x1000  }
0xc1: {  	[sflag:s7] =	ssyncset.done $0x0  }
0xc2: {  	[sflag:s7] =	ssyncadd.s32 $0xFFFFF000  }
0xc3: {  	_ =	swait.ge [sflag:s7], $0x1000  }
0xc4: {  	[sflag:s7] =	ssyncset.done $0x0  }
0xc5: {  	[sflag:s7] =	ssyncadd.s32 $0xFFFFF000  }
0xc6: {  	_ =	swait.ge [sflag:s7], $0x1000  }
0xc7: {  	[sflag:s7] =	ssyncset.done $0x0  }
0xc8: {  	[sflag:s7] =	ssyncadd.s32 $0xFFFFF000  }
0xc9: {  	p1 =	sne.s32 s1, $0x1;
	_ =	swait.ge [sflag:s7], $0x1000  }
.Ltmp2:
0xca: {  	[sflag:s7] =	ssyncset.done $0x0;
	(pc) =	sbr.rel @p1 .LBB2_2-.Ltmp2, $4  }
0xcb: {  	[sflag:s7] =	ssyncadd.s32 $0xFFFFF000  }
0xcc: {  	[hbm4b:s4+s2] =	stream.linear.scatter [tilespmem:s5], [sflag:$0x2], $0xA000, $0x38;
	[tilespmem:$0xA500] =	vst v63  }
0xcd: {  	_ =	swait.ge [sflag:s3], $0xA000  }
0xce: {  	s1 =	sadd.s32 $0xFFFFFFFF, s1;
	s0 =	rddreg [dreg:$0x3];
	[sflag:s3] =	ssyncset.done $0x0  }
.LBB2_3:
0xcf: {  	[sflag:s3] =	ssyncadd.s32 @p0 $0xFFFF6000  }
0xd0: {  	[tilespmem:s2], [sflag:$0x2] =	stream.linear.gather [hbm4b:s0+s2], $0x80, $0x38;
	[tilespmem:$0xA500] =	vst v63  }
0xd1: {  	_ =	swait.ge [sflag:s3], $0x80  }
0xd2: {  	[sflag:s3] =	ssyncset.done $0x0  }
0xd3: {  	s1 =	rddreg [dreg:$0x4];
	[sflag:s3] =	ssyncadd.s32 $0xFFFFFF80  }
0xd4: {  	[tilespmem:s8], [sflag:$0x2] =	stream.linear.gather [hbm4b:s1+s2], $0x80, $0x38;
	[tilespmem:$0xA500] =	vst v63  }
0xd5: {  	_ =	swait.ge [sflag:s3], $0x80  }
0xd6: {  	[sflag:s3] =	ssyncset.done $0x0  }
0xd7: {  	s1 =	rddreg [dreg:$0x5];
	[sflag:s3] =	ssyncadd.s32 $0xFFFFFF80  }
0xd8: {  	[tilespmem:s9], [sflag:$0x2] =	stream.linear.gather [hbm4b:s1+s2], $0x80, $0x38;
	[tilespmem:$0xA500] =	vst v63  }
0xd9: {  	_ =	swait.ge [sflag:s3], $0x80  }
0xda: {  	[sflag:s3] =	ssyncset.done $0x0  }
0xdb: {  	s1 =	rddreg [dreg:$0x6];
	[sflag:s3] =	ssyncadd.s32 $0xFFFFFF80  }
0xdc: {  	[tilespmem:s10], [sflag:$0x2] =	stream.linear.gather [hbm4b:s1+s2], $0x80, $0x38;
	[tilespmem:$0xA500] =	vst v63  }
0xdd: {  	_ =	swait.ge [sflag:s3], $0x80  }
0xde: {  	[sflag:s3] =	ssyncset.done $0x0  }
0xdf: {  	s1 =	rddreg [dreg:$0x7];
	[sflag:s3] =	ssyncadd.s32 $0xFFFFFF80  }
0xe0: {  	[tilespmem:s11], [sflag:$0x2] =	stream.linear.gather [hbm4b:s1+s2], $0x80, $0x38;
	[tilespmem:$0xA500] =	vst v63  }
0xe1: {  	_ =	swait.ge [sflag:s3], $0x80  }
0xe2: {  	[sflag:s3] =	ssyncset.done $0x0  }
0xe3: {  	[sflag:s3] =	ssyncadd.s32 $0xFFFFFF80  }
0xe4: {  	[tilespmem:s12], [sflag:$0x2] =	stream.linear.gather [hbm4b:s21+s2], $0x80, $0x38;
	[tilespmem:$0xA500] =	vst v63  }
0xe5: {  	_ =	swait.ge [sflag:s3], $0x80  }
0xe6: {  	[sflag:s3] =	ssyncset.done $0x0  }
0xe7: {  	[sflag:s3] =	ssyncadd.s32 $0xFFFFFF80  }
0xe8: {  	[tilespmem:s13], [sflag:$0x2] =	stream.linear.gather [hbm4b:s20+s2], $0x80, $0x38;
	[tilespmem:$0xA500] =	vst v63  }
0xe9: {  	_ =	swait.ge [sflag:s3], $0x80  }
0xea: {  	[sflag:s3] =	ssyncset.done $0x0  }
0xeb: {  	[sflag:s3] =	ssyncadd.s32 $0xFFFFFF80  }
0xec: {  	[tilespmem:s14], [sflag:$0x2] =	stream.linear.gather [hbm4b:s19+s2], $0x80, $0x38;
	[tilespmem:$0xA500] =	vst v63  }
0xed: {  	_ =	swait.ge [sflag:s3], $0x80  }
0xee: {  	[sflag:s3] =	ssyncset.done $0x0  }
0xef: {  	[sflag:s3] =	ssyncadd.s32 $0xFFFFFF80  }
0xf0: {  	[tilespmem:s15], [sflag:$0x2] =	stream.linear.gather [hbm4b:s18+s2], $0x80, $0x38;
	[tilespmem:$0xA500] =	vst v63  }
0xf1: {  	_ =	swait.ge [sflag:s3], $0x80  }
0xf2: {  	[sflag:s3] =	ssyncset.done $0x0  }
0xf3: {  	[sflag:s3] =	ssyncadd.s32 $0xFFFFFF80  }
0xf4: {  	[tilespmem:s16], [sflag:$0x2] =	stream.linear.gather [hbm4b:s17+s2], $0x80, $0x38;
	[tilespmem:$0xA500] =	vst v63  }
0xf5: {  	_ =	swait.ge [sflag:s3], $0x80  }
0xf6: {  	[sflag:s3] =	ssyncset.done $0x0  }
0xf7: {  	[sflag:s3] =	ssyncadd.s32 $0xFFFFFF80  }
0xf8: {  	[tilespmem:s5], [sflag:$0x1] =	stream.indirect.gather [hbm4b:s6+s8], $0x20, s2, s8, $0xb8;
	[tilespmem:$0xA500] =	vst v63  }
0xf9: {  	_ = 	snop  }
0xfa: {  	[tilespmem:s22], [sflag:$0x1] =	stream.indirect.gather [hbm4b:s6+s8], $0x20, s8, s8, $0xb8;
	[tilespmem:$0xA500] =	vst v63  }
0xfb: {  	_ = 	snop  }
0xfc: {  	[tilespmem:s23], [sflag:$0x1] =	stream.indirect.gather [hbm4b:s6+s8], $0x20, s9, s8, $0xb8;
	[tilespmem:$0xA500] =	vst v63  }
0xfd: {  	_ = 	snop  }
0xfe: {  	[tilespmem:s24], [sflag:$0x1] =	stream.indirect.gather [hbm4b:s6+s8], $0x20, s10, s8, $0xb8;
	[tilespmem:$0xA500] =	vst v63  }
0xff: {  	_ = 	snop  }
0x100: {  	[tilespmem:s25], [sflag:$0x1] =	stream.indirect.gather [hbm4b:s6+s8], $0x20, s11, s8, $0xb8;
	[tilespmem:$0xA500] =	vst v63  }
0x101: {  	_ = 	snop  }
0x102: {  	[tilespmem:s26], [sflag:$0x1] =	stream.indirect.gather [hbm4b:s6+s8], $0x20, s12, s8, $0xb8;
	[tilespmem:$0xA500] =	vst v63  }
0x103: {  	_ = 	snop  }
0x104: {  	[tilespmem:s28], [sflag:$0x1] =	stream.indirect.gather [hbm4b:s6+s8], $0x20, s13, s8, $0xb8;
	[tilespmem:$0xA500] =	vst v63  }
0x105: {  	_ = 	snop  }
0x106: {  	[tilespmem:s29], [sflag:$0x1] =	stream.indirect.gather [hbm4b:s6+s8], $0x20, s14, s8, $0xb8;
	[tilespmem:$0xA500] =	vst v63  }
0x107: {  	_ = 	snop  }
0x108: {  	[tilespmem:s30], [sflag:$0x1] =	stream.indirect.gather [hbm4b:s6+s8], $0x20, s15, s8, $0xb8;
	[tilespmem:$0xA500] =	vst v63  }
0x109: {  	_ = 	snop  }
0x10a: {  	[tilespmem:s31], [sflag:$0x1] =	stream.indirect.gather [hbm4b:s6+s8], $0x20, s16, s8, $0xb8;
	[tilespmem:$0xA500] =	vst v63  }
0x10b: {  	_ =	swait.ge [sflag:s7], $0x1000  }
0x10c: {  	[sflag:s7] =	ssyncset.done $0x0  }
0x10d: {  	[sflag:s7] =	ssyncadd.s32 $0xFFFFF000  }
0x10e: {  	_ =	swait.ge [sflag:s7], $0x1000  }
0x10f: {  	[sflag:s7] =	ssyncset.done $0x0  }
0x110: {  	[sflag:s7] =	ssyncadd.s32 $0xFFFFF000  }
0x111: {  	_ =	swait.ge [sflag:s7], $0x1000  }
0x112: {  	[sflag:s7] =	ssyncset.done $0x0  }
0x113: {  	[sflag:s7] =	ssyncadd.s32 $0xFFFFF000  }
0x114: {  	_ =	swait.ge [sflag:s7], $0x1000  }
0x115: {  	[sflag:s7] =	ssyncset.done $0x0  }
0x116: {  	[sflag:s7] =	ssyncadd.s32 $0xFFFFF000  }
0x117: {  	_ =	swait.ge [sflag:s7], $0x1000  }
0x118: {  	[sflag:s7] =	ssyncset.done $0x0  }
0x119: {  	[sflag:s7] =	ssyncadd.s32 $0xFFFFF000  }
0x11a: {  	_ =	swait.ge [sflag:s7], $0x1000  }
0x11b: {  	[sflag:s7] =	ssyncset.done $0x0  }
0x11c: {  	[sflag:s7] =	ssyncadd.s32 $0xFFFFF000  }
0x11d: {  	_ =	swait.ge [sflag:s7], $0x1000  }
0x11e: {  	[sflag:s7] =	ssyncset.done $0x0  }
0x11f: {  	[sflag:s7] =	ssyncadd.s32 $0xFFFFF000  }
0x120: {  	_ =	swait.ge [sflag:s7], $0x1000  }
0x121: {  	[sflag:s7] =	ssyncset.done $0x0  }
0x122: {  	[sflag:s7] =	ssyncadd.s32 $0xFFFFF000  }
0x123: {  	_ =	swait.ge [sflag:s7], $0x1000  }
0x124: {  	[sflag:s7] =	ssyncset.done $0x0  }
0x125: {  	[sflag:s7] =	ssyncadd.s32 $0xFFFFF000  }
0x126: {  	_ =	swait.ge [sflag:s7], $0x1000  }
0x127: {  	[sflag:s7] =	ssyncset.done $0x0  }
0x128: {  	[sflag:s7] =	ssyncadd.s32 $0xFFFFF000  }
0x129: {  	[hbm4b:s4+s2] =	stream.linear.scatter [tilespmem:s5], [sflag:$0x2], $0xA000, $0x38;
	[tilespmem:$0xA500] =	vst v63  }
0x12a: {  	_ =	swait.ge [sflag:s3], $0xA000  }
0x12b: {  	[sflag:s3] =	ssyncset.done $0x0  }
0x12c: {  	[sflag:s3] =	ssyncadd.s32 $0xFFFF6000  }
0x12d: {  	_ =	sfence.sel $0x180000  }
0x12e: {  	[bflag:$0x0] =	sbarrier.arrive $0xFFFF  }
0x12f: {  	_ =	strace $0x90000047  }
0x130: {  	s31 =	stileid.u32;
	[bflag:$0x2] =	sbarrier.arrive $0xFFFF  }
0x131: {  	p0 =	sne.s32 s31, $0x0;
	s0 =	rddreg [dreg:$0x2]  }
0x132: {  	s0 =	sadd.s32 @!p0 $0x100000, s0  }
0x133: {  	[sflag:s0] =	ssyncadd.tile.s32 @!p0 $0x1;
	_ =	shalt  }
.Lfunc_end2:
_tile_overlayer_lowered:
.L_overlay_start_2:
0x134: {  	(tag) =	ssettag $0x2  }
0x135: {  	s0 =	rddreg [dreg:$0x0];
	s2 =	stileid.u32  }
0x136: {  	s1 =	rddreg [dreg:$0x1];
	p0 =	sne.s32 s2, $0x0  }
0x137: {  	s3 =	rddreg [dreg:$0x2];
	[bflag:$0x3] =	sbarrier.arrive $0xFFFF;
	s2 =	simm.s32 @!p0 $0x1C02  }
0x138: {  	[timem:s3], [sflag:s2] =	dma.local @!p0 [hbm:s0], s1  }
0x139: {  	s0 =	simm.s32 @!p0 $0x2  }
0x13a: {  	_ =	swait.ge @!p0 [sflag:s0], s1  }
0x13b: {  	s1 =	ssub.s32 @!p0 $0x0, s1;
	[sflag:s0] =	ssyncset.done @!p0 $0x0  }
0x13c: {  	[sflag:s0] =	ssyncadd.s32 @!p0 s1  }
0x13d: {  	[bflag:$0x3] =	sbarrier.arrive $0xFFFF  }
0x13e: {  	_ =	shalt  }

</sc_bundles>
